<compile_context>
chip_gen: v7x
topology: tpu7x:2x2x1
jax: 0.10.2.dev20260603
libtpu: 0.0.44.dev20260713+nightly
codegen_flags: <defaults>
</compile_context>

<pallas_src>
import jax
import jax.numpy as jnp
from jax import lax
from jax.experimental import pallas as pl
from jax.experimental.pallas import tpu as pltpu
from jax.experimental.pallas import tpu_sc as plsc

NC = 2
NS = 16
DEGW = 16


def _zero_fill(buf, rows, width):
  z16 = jnp.zeros((16,), jnp.float32)

  def zf(i, _):
    for k in range(width // 16):
      buf[i, pl.ds(k * 16, 16)] = z16
    return 0

  lax.fori_loop(0, rows, zf, 0)


def _sc_agg(n, d, e, c):
  rows_per_tile = n // NS
  e_per_core = e // NC
  e_per_tile = e_per_core // NS
  nch = e_per_tile // c
  zc = min(c, 128)
  nz = rows_per_tile // zc

  scratch = [
      pltpu.VMEM_SHARED((n, d), jnp.float32),
      pltpu.VMEM((c,), jnp.int32),
      pltpu.VMEM((c,), jnp.int32),
      pltpu.VMEM((c, d), jnp.float32),
      pltpu.SemaphoreType.DMA,
  ]
  mesh = plsc.VectorSubcoreMesh(core_axis_name="c", subcore_axis_name="s",
                                num_cores=NC, num_subcores=NS)

  def body(table_hbm, src_hbm, dst_hbm, psum_hbm,
           acc_sh, src_idx, dst_idx, rows_v, sem):
    core = lax.axis_index("c")
    sid = lax.axis_index("s")
    r0 = sid * rows_per_tile

    _zero_fill(rows_v, zc, d)
    for k in range(nz):
      pltpu.sync_copy(rows_v.at[pl.ds(0, zc)],
                      acc_sh.at[pl.ds(r0 + k * zc, zc)])
    plsc.subcore_barrier()

    e_base = core * e_per_core + sid * e_per_tile

    def step(j, _):
      off = e_base + j * c
      pltpu.sync_copy(src_hbm.at[pl.ds(off, c)], src_idx)
      pltpu.sync_copy(dst_hbm.at[pl.ds(off, c)], dst_idx)
      pltpu.async_copy(table_hbm.at[src_idx], rows_v, sem).wait()
      pltpu.sync_copy(rows_v, acc_sh.at[dst_idx], add=True)
      return 0

    lax.fori_loop(0, nch, step, 0)
    plsc.subcore_barrier()

    pltpu.sync_copy(acc_sh.at[pl.ds(r0, rows_per_tile)],
                    psum_hbm.at[core, pl.ds(r0, rows_per_tile)])

  return pl.kernel(
      body,
      out_type=jax.ShapeDtypeStruct((NC, n, d), jnp.float32),
      mesh=mesh,
      scratch_types=scratch,
  )


def _sc_deg(n, e, c, degw=DEGW, tc_tiling=None):
  rows_per_tile = n // NS
  e_per_core = e // NC
  e_per_tile = e_per_core // NS
  nch = e_per_tile // c
  zc = min(c, 128)
  nz = rows_per_tile // zc

  scratch = [
      pltpu.VMEM_SHARED((n, degw), jnp.float32),
      pltpu.VMEM((c,), jnp.int32),
      pltpu.VMEM((c, degw), jnp.float32),
  ]
  mesh = plsc.VectorSubcoreMesh(core_axis_name="c", subcore_axis_name="s",
                                num_cores=NC, num_subcores=NS)

  def body(dst_hbm, degp_hbm, deg_sh, dst_idx, ones_v):
    core = lax.axis_index("c")
    sid = lax.axis_index("s")
    r0 = sid * rows_per_tile

    _zero_fill(ones_v, zc, degw)
    for k in range(nz):
      pltpu.sync_copy(ones_v.at[pl.ds(0, zc)],
                      deg_sh.at[pl.ds(r0 + k * zc, zc)])
    o16 = jnp.ones((16,), jnp.float32)

    def ofill(i, _):
      for k in range(degw // 16):
        ones_v[i, pl.ds(k * 16, 16)] = o16
      return 0

    lax.fori_loop(0, c, ofill, 0)
    plsc.subcore_barrier()

    e_base = core * e_per_core + sid * e_per_tile

    def step(j, _):
      off = e_base + j * c
      pltpu.sync_copy(dst_hbm.at[pl.ds(off, c)], dst_idx)
      pltpu.sync_copy(ones_v, deg_sh.at[dst_idx], add=True)
      return 0

    lax.fori_loop(0, nch, step, 0)
    plsc.subcore_barrier()

    pltpu.sync_copy(deg_sh.at[pl.ds(r0, rows_per_tile)],
                    degp_hbm.at[core, pl.ds(r0, rows_per_tile)])

  return pl.kernel(
      body,
      out_type=jax.ShapeDtypeStruct((NC, n, degw), jnp.float32),
      mesh=mesh,
      scratch_types=scratch,
      compiler_params=(None if tc_tiling is None
                       else pltpu.CompilerParams(use_tc_tiling_on_sc=tc_tiling)),
  )


def _tc_layer(n, d, bm, final):

  def body(*refs):
    if final:
      p0, p1, g0, g1, h, wl, wr, b, wf, bf, o = refs
    else:
      p0, p1, g0, g1, h, wl, wr, b, o = refs
    deg = g0[:, 0:1] + g1[:, 0:1]
    rdeg = 1.0 / jnp.maximum(deg, 1.0)
    agg = (p0[:] + p1[:]) * rdeg
    z = (jnp.dot(agg, wl[:], preferred_element_type=jnp.float32)
         + jnp.dot(h[:], wr[:], preferred_element_type=jnp.float32) + b[:])
    z = jnp.maximum(z, 0.0)
    if final:
      o[:] = jnp.dot(z, wf[:], preferred_element_type=jnp.float32) + bf[:]
    else:
      o[:] = z

  grid = (n // bm,)
  row = lambda i: (i, 0)
  fixed = lambda i: (0, 0)
  in_specs = [
      pl.BlockSpec((bm, d), row),
      pl.BlockSpec((bm, d), row),
      pl.BlockSpec((bm, DEGW), row),
      pl.BlockSpec((bm, DEGW), row),
      pl.BlockSpec((bm, d), row),
      pl.BlockSpec((d, d), fixed),
      pl.BlockSpec((d, d), fixed),
      pl.BlockSpec((1, d), fixed),
  ]
  if final:
    in_specs += [pl.BlockSpec((d, d), fixed), pl.BlockSpec((1, d), fixed)]
  return pl.pallas_call(
      body,
      grid=grid,
      in_specs=in_specs,
      out_specs=pl.BlockSpec((bm, d), row),
      out_shape=jax.ShapeDtypeStruct((n, d), jnp.float32),
  )


def kernel(x, edge_index, W1l, W1r, b1, W2l, W2r, b2, Wfc, bfc):
  n, d = x.shape
  e = edge_index.shape[1]
  src = edge_index[0]
  dst = edge_index[1]

  npad = ((n + NS * 64 - 1) // (NS * 64)) * (NS * 64)
  xp = jnp.zeros((npad, d), x.dtype).at[:n].set(x) if npad != n else x

  c = 80
  sc_agg = _sc_agg(npad, d, e, c)
  sc_deg = _sc_deg(npad, e, c, degw=DEGW, tc_tiling=False)
  tc1 = _tc_layer(npad, d, bm=1024, final=False)
  tc2 = _tc_layer(npad, d, bm=1024, final=True)

  degp = sc_deg(dst)
  psum1 = sc_agg(xp, src, dst)
  h1 = tc1(psum1[0], psum1[1], degp[0], degp[1], xp, W1l, W1r,
           b1.reshape(1, d))
  psum2 = sc_agg(h1, src, dst)
  wf = jnp.zeros((d, d), jnp.float32).at[:, : Wfc.shape[1]].set(Wfc)
  bf = jnp.zeros((1, d), jnp.float32).at[0, : bfc.shape[0]].set(bfc)
  outp = tc2(psum2[0], psum2[1], degp[0], degp[1], h1, W2l, W2r,
             b2.reshape(1, d), wf, bf)
  return outp[:n, : Wfc.shape[1]]

# --- scband reference (transcript-rebuilt; emitter-appended) ---
"""Pipeline reference for scband-graph-sagemodel-55783035240725 (READ-ONLY COPY).

The authoritative reference and input builder live on the scoring server;
editing this copy changes nothing except your own understanding.
"""

import jax, jax.numpy as jnp
import numpy as np

N, E, D, H, O = 10000, 320000, 128, 128, 2

def setup_inputs(seed: int = 0) -> dict:
    key = jax.random.key(seed)
    ks = jax.random.split(key, 10)
    x = jax.random.normal(ks[0], (N, D), dtype=jnp.float32)
    edge_index = jax.random.randint(ks[1], (2, E), 0, N, dtype=jnp.int32)
    s1 = 1.0 / np.sqrt(D)
    s2 = 1.0 / np.sqrt(H)
    W1l = jax.random.uniform(ks[2], (D, H), jnp.float32, -s1, s1)
    W1r = jax.random.uniform(ks[3], (D, H), jnp.float32, -s1, s1)
    b1 = jnp.zeros((H,), jnp.float32)
    W2l = jax.random.uniform(ks[4], (H, H), jnp.float32, -s2, s2)
    W2r = jax.random.uniform(ks[5], (H, H), jnp.float32, -s2, s2)
    b2 = jnp.zeros((H,), jnp.float32)
    Wfc = jax.random.uniform(ks[6], (H, O), jnp.float32, -s2, s2)
    bfc = jnp.zeros((O,), jnp.float32)
    return {"x": x, "edge_index": edge_index, "W1l": W1l, "W1r": W1r, "b1": b1,
            "W2l": W2l, "W2r": W2r, "b2": b2, "Wfc": Wfc, "bfc": bfc}

def _sage_conv(h, src, dst, Wl, Wr, b, n_nodes):
    # mean aggregation of neighbor (source) features into destination nodes
    msgs = jnp.take(h, src, axis=0)
    summed = jax.ops.segment_sum(msgs, dst, num_segments=n_nodes)
    deg = jax.ops.segment_sum(jnp.ones((src.shape[0],), h.dtype), dst, num_segments=n_nodes)
    agg = summed / jnp.clip(deg, 1.0, None)[:, None]
    # SAGEConv: lin_l(agg) + lin_r(root) + bias
    return agg @ Wl + h @ Wr + b

def reference(x, edge_index, W1l, W1r, b1, W2l, W2r, b2, Wfc, bfc):
    src = edge_index[0]
    dst = edge_index[1]
    n_nodes = x.shape[0]
    # eval mode: dropout is identity
    h = jax.nn.relu(_sage_conv(x, src, dst, W1l, W1r, b1, n_nodes))
    h = jax.nn.relu(_sage_conv(h, src, dst, W2l, W2r, b2, n_nodes))
    return h @ Wfc + bfc

if __name__ == "__main__":
    import jax
    _d = setup_inputs()
    print(jax.jit(kernel)(*tuple(_d.values())))

</pallas_src>

<mosaic_0001>
#map = affine_map<(d0, d1) -> (0)>
#map1 = affine_map<(d0, d1) -> (0, 0, 0)>
module attributes {stable_mosaic.version = 14 : i64} {
  func.func @body(%arg0: i32, %arg1: i32, %arg2: memref<320000xi32, #tpu.memory_space<hbm>>, %arg3: memref<2x10240x16xf32, #tpu.memory_space<hbm>>, %arg4: memref<10240x16xf32, #tpu.memory_space<vmem_shared>>, %arg5: memref<80xi32, #tpu.memory_space<vmem>>, %arg6: memref<80x16xf32, #tpu.memory_space<vmem>>) attributes {dimension_semantics = [#tpu.dimension_semantics<core_parallel>, #tpu.dimension_semantics<subcore_parallel>], iteration_bounds = array<i64: 2, 16>, scalar_prefetch = 0 : i64, scratch_operands = 3 : i64, tpu.core_type = #tpu.core_type<sc_vector_subcore>, window_params = [{transform_indices = #map}, {transform_indices = #map1}]} {
    %mul3A = arith.constant 640 : i32
    %mul3A_0 = arith.muli %arg1, %mul3A : i32
    %broadcast_in_dim3A = arith.constant 0.000000e+00 : f32
    %broadcast_in_dim3A_1 = vector.broadcast %broadcast_in_dim3A : f32 to vector<16xf32>
    %scan3A = arith.constant 0 : i32
    %scan3A_2 = arith.constant 0 : i32
    %scan3A_3 = arith.constant 80 : i32
    %scan3A_4 = arith.addi %scan3A_2, %scan3A_3 : i32
    %scan3A_5 = arith.constant 1 : i32
    %scan3A_6 = scf.for %scan3A_45 = %scan3A_2 to %scan3A_4 step %scan3A_5 iter_args(%scan3A_46 = %scan3A) -> (i32)  : i32 {
      %swap3A = arith.index_cast %scan3A_45 : i32 to index
      %swap3A_47 = arith.constant 0 : index
      %swap3A_48 = tpu.vector_load %arg6[%swap3A, %swap3A_47] {strides = array<i32>} : memref<80x16xf32, #tpu.memory_space<vmem>>, vector<1x16xf32>,
      %swap3A_49 = vector.shape_cast %swap3A_48 : vector<1x16xf32> to vector<16xf32>
      %swap3A_50 = vector.shape_cast %broadcast_in_dim3A_1 : vector<16xf32> to vector<1x16xf32>
      tpu.vector_store %arg6[%swap3A, %swap3A_47], %swap3A_50 {strides = array<i32>} : memref<80x16xf32, #tpu.memory_space<vmem>>, vector<1x16xf32>,
      %scan3A_51 = arith.constant 0 : i32
      scf.yield %scan3A_51 : i32
    }
    %scan3A_7 = arith.constant 80 : i32
    %add3A = arith.constant 0 : i32
    %add3A_8 = arith.addi %mul3A_0, %add3A : i32
    "tpu.region"() ({
      %run_scoped3A = tpu.sem_alloc : memref<!tpu.dma_semaphore, #tpu.memory_space<semaphore_mem>>
      %dma_start3A = arith.constant 0 : i32
      %dma_start3A_45 = arith.constant 0 : i32
      %dma_start3A_46 = tpu.memref_slice %arg6[%dma_start3A, %dma_start3A_45] : memref<80x16xf32, #tpu.memory_space<vmem>> -> memref<80x16xf32, #tpu.memory_space<vmem>>
      %dma_start3A_47 = arith.constant 0 : i32
      %dma_start3A_48 = tpu.memref_slice %arg4[%add3A_8, %dma_start3A_47] : memref<10240x16xf32, #tpu.memory_space<vmem_shared>> -> memref<80x16xf32, #tpu.memory_space<vmem_shared>>
      %dma_start3A_49 = arith.constant 0 : i32
      %dma_start3A_50 = tpu.memref_slice %arg4[%add3A_8, %dma_start3A_49] : memref<10240x16xf32, #tpu.memory_space<vmem_shared>> -> memref<80x16xf32, #tpu.memory_space<vmem_shared>>
      %dma_start3A_51 = arith.constant 0 : i32
      %dma_start3A_52 = arith.constant 0 : i32
      %dma_start3A_53 = tpu.memref_slice %arg6[%dma_start3A_51, %dma_start3A_52] : memref<80x16xf32, #tpu.memory_space<vmem>> -> memref<80x16xf32, #tpu.memory_space<vmem>>
      tpu.enqueue_dma source(%dma_start3A_53 : memref<80x16xf32, #tpu.memory_space<vmem>>) target(%dma_start3A_50 : memref<80x16xf32, #tpu.memory_space<vmem_shared>>) target_semaphore(%run_scoped3A : memref<!tpu.dma_semaphore, #tpu.memory_space<semaphore_mem>>)
      %dma_wait3A = arith.constant 0 : i32
      %dma_wait3A_54 = arith.constant 0 : i32
      %dma_wait3A_55 = tpu.memref_slice %arg6[%dma_wait3A, %dma_wait3A_54] : memref<80x16xf32, #tpu.memory_space<vmem>> -> memref<80x16xf32, #tpu.memory_space<vmem>>
      %dma_wait3A_56 = arith.constant 0 : i32
      %dma_wait3A_57 = tpu.memref_slice %arg4[%add3A_8, %dma_wait3A_56] : memref<10240x16xf32, #tpu.memory_space<vmem_shared>> -> memref<80x16xf32, #tpu.memory_space<vmem_shared>>
      %dma_wait3A_58 = arith.constant 0 : i32
      %dma_wait3A_59 = tpu.memref_slice %arg4[%add3A_8, %dma_wait3A_58] : memref<10240x16xf32, #tpu.memory_space<vmem_shared>> -> memref<80x16xf32, #tpu.memory_space<vmem_shared>>
      %dma_wait3A_60 = arith.constant 0 : i32
      %dma_wait3A_61 = arith.constant 0 : i32
      %dma_wait3A_62 = tpu.memref_slice %arg6[%dma_wait3A_60, %dma_wait3A_61] : memref<80x16xf32, #tpu.memory_space<vmem>> -> memref<80x16xf32, #tpu.memory_space<vmem>>
      tpu.wait_dma2 semaphore(%run_scoped3A : memref<!tpu.dma_semaphore, #tpu.memory_space<semaphore_mem>>) src(%dma_wait3A_62 : memref<80x16xf32, #tpu.memory_space<vmem>>) dst(%dma_wait3A_59 : memref<80x16xf32, #tpu.memory_space<vmem_shared>>)
      tpu.yield
    }) : () -> ()
    %add3A_9 = arith.constant 80 : i32
    %add3A_10 = arith.addi %mul3A_0, %add3A_9 : i32
    "tpu.region"() ({
      %run_scoped3A = tpu.sem_alloc : memref<!tpu.dma_semaphore, #tpu.memory_space<semaphore_mem>>
      %dma_start3A = arith.constant 0 : i32
      %dma_start3A_45 = arith.constant 0 : i32
      %dma_start3A_46 = tpu.memref_slice %arg6[%dma_start3A, %dma_start3A_45] : memref<80x16xf32, #tpu.memory_space<vmem>> -> memref<80x16xf32, #tpu.memory_space<vmem>>
      %dma_start3A_47 = arith.constant 0 : i32
      %dma_start3A_48 = tpu.memref_slice %arg4[%add3A_10, %dma_start3A_47] : memref<10240x16xf32, #tpu.memory_space<vmem_shared>> -> memref<80x16xf32, #tpu.memory_space<vmem_shared>>
      %dma_start3A_49 = arith.constant 0 : i32
      %dma_start3A_50 = tpu.memref_slice %arg4[%add3A_10, %dma_start3A_49] : memref<10240x16xf32, #tpu.memory_space<vmem_shared>> -> memref<80x16xf32, #tpu.memory_space<vmem_shared>>
      %dma_start3A_51 = arith.constant 0 : i32
      %dma_start3A_52 = arith.constant 0 : i32
      %dma_start3A_53 = tpu.memref_slice %arg6[%dma_start3A_51, %dma_start3A_52] : memref<80x16xf32, #tpu.memory_space<vmem>> -> memref<80x16xf32, #tpu.memory_space<vmem>>
      tpu.enqueue_dma source(%dma_start3A_53 : memref<80x16xf32, #tpu.memory_space<vmem>>) target(%dma_start3A_50 : memref<80x16xf32, #tpu.memory_space<vmem_shared>>) target_semaphore(%run_scoped3A : memref<!tpu.dma_semaphore, #tpu.memory_space<semaphore_mem>>)
      %dma_wait3A = arith.constant 0 : i32
      %dma_wait3A_54 = arith.constant 0 : i32
      %dma_wait3A_55 = tpu.memref_slice %arg6[%dma_wait3A, %dma_wait3A_54] : memref<80x16xf32, #tpu.memory_space<vmem>> -> memref<80x16xf32, #tpu.memory_space<vmem>>
      %dma_wait3A_56 = arith.constant 0 : i32
      %dma_wait3A_57 = tpu.memref_slice %arg4[%add3A_10, %dma_wait3A_56] : memref<10240x16xf32, #tpu.memory_space<vmem_shared>> -> memref<80x16xf32, #tpu.memory_space<vmem_shared>>
      %dma_wait3A_58 = arith.constant 0 : i32
      %dma_wait3A_59 = tpu.memref_slice %arg4[%add3A_10, %dma_wait3A_58] : memref<10240x16xf32, #tpu.memory_space<vmem_shared>> -> memref<80x16xf32, #tpu.memory_space<vmem_shared>>
      %dma_wait3A_60 = arith.constant 0 : i32
      %dma_wait3A_61 = arith.constant 0 : i32
      %dma_wait3A_62 = tpu.memref_slice %arg6[%dma_wait3A_60, %dma_wait3A_61] : memref<80x16xf32, #tpu.memory_space<vmem>> -> memref<80x16xf32, #tpu.memory_space<vmem>>
      tpu.wait_dma2 semaphore(%run_scoped3A : memref<!tpu.dma_semaphore, #tpu.memory_space<semaphore_mem>>) src(%dma_wait3A_62 : memref<80x16xf32, #tpu.memory_space<vmem>>) dst(%dma_wait3A_59 : memref<80x16xf32, #tpu.memory_space<vmem_shared>>)
      tpu.yield
    }) : () -> ()
    %add3A_11 = arith.constant 160 : i32
    %add3A_12 = arith.addi %mul3A_0, %add3A_11 : i32
    "tpu.region"() ({
      %run_scoped3A = tpu.sem_alloc : memref<!tpu.dma_semaphore, #tpu.memory_space<semaphore_mem>>
      %dma_start3A = arith.constant 0 : i32
      %dma_start3A_45 = arith.constant 0 : i32
      %dma_start3A_46 = tpu.memref_slice %arg6[%dma_start3A, %dma_start3A_45] : memref<80x16xf32, #tpu.memory_space<vmem>> -> memref<80x16xf32, #tpu.memory_space<vmem>>
      %dma_start3A_47 = arith.constant 0 : i32
      %dma_start3A_48 = tpu.memref_slice %arg4[%add3A_12, %dma_start3A_47] : memref<10240x16xf32, #tpu.memory_space<vmem_shared>> -> memref<80x16xf32, #tpu.memory_space<vmem_shared>>
      %dma_start3A_49 = arith.constant 0 : i32
      %dma_start3A_50 = tpu.memref_slice %arg4[%add3A_12, %dma_start3A_49] : memref<10240x16xf32, #tpu.memory_space<vmem_shared>> -> memref<80x16xf32, #tpu.memory_space<vmem_shared>>
      %dma_start3A_51 = arith.constant 0 : i32
      %dma_start3A_52 = arith.constant 0 : i32
      %dma_start3A_53 = tpu.memref_slice %arg6[%dma_start3A_51, %dma_start3A_52] : memref<80x16xf32, #tpu.memory_space<vmem>> -> memref<80x16xf32, #tpu.memory_space<vmem>>
      tpu.enqueue_dma source(%dma_start3A_53 : memref<80x16xf32, #tpu.memory_space<vmem>>) target(%dma_start3A_50 : memref<80x16xf32, #tpu.memory_space<vmem_shared>>) target_semaphore(%run_scoped3A : memref<!tpu.dma_semaphore, #tpu.memory_space<semaphore_mem>>)
      %dma_wait3A = arith.constant 0 : i32
      %dma_wait3A_54 = arith.constant 0 : i32
      %dma_wait3A_55 = tpu.memref_slice %arg6[%dma_wait3A, %dma_wait3A_54] : memref<80x16xf32, #tpu.memory_space<vmem>> -> memref<80x16xf32, #tpu.memory_space<vmem>>
      %dma_wait3A_56 = arith.constant 0 : i32
      %dma_wait3A_57 = tpu.memref_slice %arg4[%add3A_12, %dma_wait3A_56] : memref<10240x16xf32, #tpu.memory_space<vmem_shared>> -> memref<80x16xf32, #tpu.memory_space<vmem_shared>>
      %dma_wait3A_58 = arith.constant 0 : i32
      %dma_wait3A_59 = tpu.memref_slice %arg4[%add3A_12, %dma_wait3A_58] : memref<10240x16xf32, #tpu.memory_space<vmem_shared>> -> memref<80x16xf32, #tpu.memory_space<vmem_shared>>
      %dma_wait3A_60 = arith.constant 0 : i32
      %dma_wait3A_61 = arith.constant 0 : i32
      %dma_wait3A_62 = tpu.memref_slice %arg6[%dma_wait3A_60, %dma_wait3A_61] : memref<80x16xf32, #tpu.memory_space<vmem>> -> memref<80x16xf32, #tpu.memory_space<vmem>>
      tpu.wait_dma2 semaphore(%run_scoped3A : memref<!tpu.dma_semaphore, #tpu.memory_space<semaphore_mem>>) src(%dma_wait3A_62 : memref<80x16xf32, #tpu.memory_space<vmem>>) dst(%dma_wait3A_59 : memref<80x16xf32, #tpu.memory_space<vmem_shared>>)
      tpu.yield
    }) : () -> ()
    %add3A_13 = arith.constant 240 : i32
    %add3A_14 = arith.addi %mul3A_0, %add3A_13 : i32
    "tpu.region"() ({
      %run_scoped3A = tpu.sem_alloc : memref<!tpu.dma_semaphore, #tpu.memory_space<semaphore_mem>>
      %dma_start3A = arith.constant 0 : i32
      %dma_start3A_45 = arith.constant 0 : i32
      %dma_start3A_46 = tpu.memref_slice %arg6[%dma_start3A, %dma_start3A_45] : memref<80x16xf32, #tpu.memory_space<vmem>> -> memref<80x16xf32, #tpu.memory_space<vmem>>
      %dma_start3A_47 = arith.constant 0 : i32
      %dma_start3A_48 = tpu.memref_slice %arg4[%add3A_14, %dma_start3A_47] : memref<10240x16xf32, #tpu.memory_space<vmem_shared>> -> memref<80x16xf32, #tpu.memory_space<vmem_shared>>
      %dma_start3A_49 = arith.constant 0 : i32
      %dma_start3A_50 = tpu.memref_slice %arg4[%add3A_14, %dma_start3A_49] : memref<10240x16xf32, #tpu.memory_space<vmem_shared>> -> memref<80x16xf32, #tpu.memory_space<vmem_shared>>
      %dma_start3A_51 = arith.constant 0 : i32
      %dma_start3A_52 = arith.constant 0 : i32
      %dma_start3A_53 = tpu.memref_slice %arg6[%dma_start3A_51, %dma_start3A_52] : memref<80x16xf32, #tpu.memory_space<vmem>> -> memref<80x16xf32, #tpu.memory_space<vmem>>
      tpu.enqueue_dma source(%dma_start3A_53 : memref<80x16xf32, #tpu.memory_space<vmem>>) target(%dma_start3A_50 : memref<80x16xf32, #tpu.memory_space<vmem_shared>>) target_semaphore(%run_scoped3A : memref<!tpu.dma_semaphore, #tpu.memory_space<semaphore_mem>>)
      %dma_wait3A = arith.constant 0 : i32
      %dma_wait3A_54 = arith.constant 0 : i32
      %dma_wait3A_55 = tpu.memref_slice %arg6[%dma_wait3A, %dma_wait3A_54] : memref<80x16xf32, #tpu.memory_space<vmem>> -> memref<80x16xf32, #tpu.memory_space<vmem>>
      %dma_wait3A_56 = arith.constant 0 : i32
      %dma_wait3A_57 = tpu.memref_slice %arg4[%add3A_14, %dma_wait3A_56] : memref<10240x16xf32, #tpu.memory_space<vmem_shared>> -> memref<80x16xf32, #tpu.memory_space<vmem_shared>>
      %dma_wait3A_58 = arith.constant 0 : i32
      %dma_wait3A_59 = tpu.memref_slice %arg4[%add3A_14, %dma_wait3A_58] : memref<10240x16xf32, #tpu.memory_space<vmem_shared>> -> memref<80x16xf32, #tpu.memory_space<vmem_shared>>
      %dma_wait3A_60 = arith.constant 0 : i32
      %dma_wait3A_61 = arith.constant 0 : i32
      %dma_wait3A_62 = tpu.memref_slice %arg6[%dma_wait3A_60, %dma_wait3A_61] : memref<80x16xf32, #tpu.memory_space<vmem>> -> memref<80x16xf32, #tpu.memory_space<vmem>>
      tpu.wait_dma2 semaphore(%run_scoped3A : memref<!tpu.dma_semaphore, #tpu.memory_space<semaphore_mem>>) src(%dma_wait3A_62 : memref<80x16xf32, #tpu.memory_space<vmem>>) dst(%dma_wait3A_59 : memref<80x16xf32, #tpu.memory_space<vmem_shared>>)
      tpu.yield
    }) : () -> ()
    %add3A_15 = arith.constant 320 : i32
    %add3A_16 = arith.addi %mul3A_0, %add3A_15 : i32
    "tpu.region"() ({
      %run_scoped3A = tpu.sem_alloc : memref<!tpu.dma_semaphore, #tpu.memory_space<semaphore_mem>>
      %dma_start3A = arith.constant 0 : i32
      %dma_start3A_45 = arith.constant 0 : i32
      %dma_start3A_46 = tpu.memref_slice %arg6[%dma_start3A, %dma_start3A_45] : memref<80x16xf32, #tpu.memory_space<vmem>> -> memref<80x16xf32, #tpu.memory_space<vmem>>
      %dma_start3A_47 = arith.constant 0 : i32
      %dma_start3A_48 = tpu.memref_slice %arg4[%add3A_16, %dma_start3A_47] : memref<10240x16xf32, #tpu.memory_space<vmem_shared>> -> memref<80x16xf32, #tpu.memory_space<vmem_shared>>
      %dma_start3A_49 = arith.constant 0 : i32
      %dma_start3A_50 = tpu.memref_slice %arg4[%add3A_16, %dma_start3A_49] : memref<10240x16xf32, #tpu.memory_space<vmem_shared>> -> memref<80x16xf32, #tpu.memory_space<vmem_shared>>
      %dma_start3A_51 = arith.constant 0 : i32
      %dma_start3A_52 = arith.constant 0 : i32
      %dma_start3A_53 = tpu.memref_slice %arg6[%dma_start3A_51, %dma_start3A_52] : memref<80x16xf32, #tpu.memory_space<vmem>> -> memref<80x16xf32, #tpu.memory_space<vmem>>
      tpu.enqueue_dma source(%dma_start3A_53 : memref<80x16xf32, #tpu.memory_space<vmem>>) target(%dma_start3A_50 : memref<80x16xf32, #tpu.memory_space<vmem_shared>>) target_semaphore(%run_scoped3A : memref<!tpu.dma_semaphore, #tpu.memory_space<semaphore_mem>>)
      %dma_wait3A = arith.constant 0 : i32
      %dma_wait3A_54 = arith.constant 0 : i32
      %dma_wait3A_55 = tpu.memref_slice %arg6[%dma_wait3A, %dma_wait3A_54] : memref<80x16xf32, #tpu.memory_space<vmem>> -> memref<80x16xf32, #tpu.memory_space<vmem>>
      %dma_wait3A_56 = arith.constant 0 : i32
      %dma_wait3A_57 = tpu.memref_slice %arg4[%add3A_16, %dma_wait3A_56] : memref<10240x16xf32, #tpu.memory_space<vmem_shared>> -> memref<80x16xf32, #tpu.memory_space<vmem_shared>>
      %dma_wait3A_58 = arith.constant 0 : i32
      %dma_wait3A_59 = tpu.memref_slice %arg4[%add3A_16, %dma_wait3A_58] : memref<10240x16xf32, #tpu.memory_space<vmem_shared>> -> memref<80x16xf32, #tpu.memory_space<vmem_shared>>
      %dma_wait3A_60 = arith.constant 0 : i32
      %dma_wait3A_61 = arith.constant 0 : i32
      %dma_wait3A_62 = tpu.memref_slice %arg6[%dma_wait3A_60, %dma_wait3A_61] : memref<80x16xf32, #tpu.memory_space<vmem>> -> memref<80x16xf32, #tpu.memory_space<vmem>>
      tpu.wait_dma2 semaphore(%run_scoped3A : memref<!tpu.dma_semaphore, #tpu.memory_space<semaphore_mem>>) src(%dma_wait3A_62 : memref<80x16xf32, #tpu.memory_space<vmem>>) dst(%dma_wait3A_59 : memref<80x16xf32, #tpu.memory_space<vmem_shared>>)
      tpu.yield
    }) : () -> ()
    %add3A_17 = arith.constant 400 : i32
    %add3A_18 = arith.addi %mul3A_0, %add3A_17 : i32
    "tpu.region"() ({
      %run_scoped3A = tpu.sem_alloc : memref<!tpu.dma_semaphore, #tpu.memory_space<semaphore_mem>>
      %dma_start3A = arith.constant 0 : i32
      %dma_start3A_45 = arith.constant 0 : i32
      %dma_start3A_46 = tpu.memref_slice %arg6[%dma_start3A, %dma_start3A_45] : memref<80x16xf32, #tpu.memory_space<vmem>> -> memref<80x16xf32, #tpu.memory_space<vmem>>
      %dma_start3A_47 = arith.constant 0 : i32
      %dma_start3A_48 = tpu.memref_slice %arg4[%add3A_18, %dma_start3A_47] : memref<10240x16xf32, #tpu.memory_space<vmem_shared>> -> memref<80x16xf32, #tpu.memory_space<vmem_shared>>
      %dma_start3A_49 = arith.constant 0 : i32
      %dma_start3A_50 = tpu.memref_slice %arg4[%add3A_18, %dma_start3A_49] : memref<10240x16xf32, #tpu.memory_space<vmem_shared>> -> memref<80x16xf32, #tpu.memory_space<vmem_shared>>
      %dma_start3A_51 = arith.constant 0 : i32
      %dma_start3A_52 = arith.constant 0 : i32
      %dma_start3A_53 = tpu.memref_slice %arg6[%dma_start3A_51, %dma_start3A_52] : memref<80x16xf32, #tpu.memory_space<vmem>> -> memref<80x16xf32, #tpu.memory_space<vmem>>
      tpu.enqueue_dma source(%dma_start3A_53 : memref<80x16xf32, #tpu.memory_space<vmem>>) target(%dma_start3A_50 : memref<80x16xf32, #tpu.memory_space<vmem_shared>>) target_semaphore(%run_scoped3A : memref<!tpu.dma_semaphore, #tpu.memory_space<semaphore_mem>>)
      %dma_wait3A = arith.constant 0 : i32
      %dma_wait3A_54 = arith.constant 0 : i32
      %dma_wait3A_55 = tpu.memref_slice %arg6[%dma_wait3A, %dma_wait3A_54] : memref<80x16xf32, #tpu.memory_space<vmem>> -> memref<80x16xf32, #tpu.memory_space<vmem>>
      %dma_wait3A_56 = arith.constant 0 : i32
      %dma_wait3A_57 = tpu.memref_slice %arg4[%add3A_18, %dma_wait3A_56] : memref<10240x16xf32, #tpu.memory_space<vmem_shared>> -> memref<80x16xf32, #tpu.memory_space<vmem_shared>>
      %dma_wait3A_58 = arith.constant 0 : i32
      %dma_wait3A_59 = tpu.memref_slice %arg4[%add3A_18, %dma_wait3A_58] : memref<10240x16xf32, #tpu.memory_space<vmem_shared>> -> memref<80x16xf32, #tpu.memory_space<vmem_shared>>
      %dma_wait3A_60 = arith.constant 0 : i32
      %dma_wait3A_61 = arith.constant 0 : i32
      %dma_wait3A_62 = tpu.memref_slice %arg6[%dma_wait3A_60, %dma_wait3A_61] : memref<80x16xf32, #tpu.memory_space<vmem>> -> memref<80x16xf32, #tpu.memory_space<vmem>>
      tpu.wait_dma2 semaphore(%run_scoped3A : memref<!tpu.dma_semaphore, #tpu.memory_space<semaphore_mem>>) src(%dma_wait3A_62 : memref<80x16xf32, #tpu.memory_space<vmem>>) dst(%dma_wait3A_59 : memref<80x16xf32, #tpu.memory_space<vmem_shared>>)
      tpu.yield
    }) : () -> ()
    %add3A_19 = arith.constant 480 : i32
    %add3A_20 = arith.addi %mul3A_0, %add3A_19 : i32
    "tpu.region"() ({
      %run_scoped3A = tpu.sem_alloc : memref<!tpu.dma_semaphore, #tpu.memory_space<semaphore_mem>>
      %dma_start3A = arith.constant 0 : i32
      %dma_start3A_45 = arith.constant 0 : i32
      %dma_start3A_46 = tpu.memref_slice %arg6[%dma_start3A, %dma_start3A_45] : memref<80x16xf32, #tpu.memory_space<vmem>> -> memref<80x16xf32, #tpu.memory_space<vmem>>
      %dma_start3A_47 = arith.constant 0 : i32
      %dma_start3A_48 = tpu.memref_slice %arg4[%add3A_20, %dma_start3A_47] : memref<10240x16xf32, #tpu.memory_space<vmem_shared>> -> memref<80x16xf32, #tpu.memory_space<vmem_shared>>
      %dma_start3A_49 = arith.constant 0 : i32
      %dma_start3A_50 = tpu.memref_slice %arg4[%add3A_20, %dma_start3A_49] : memref<10240x16xf32, #tpu.memory_space<vmem_shared>> -> memref<80x16xf32, #tpu.memory_space<vmem_shared>>
      %dma_start3A_51 = arith.constant 0 : i32
      %dma_start3A_52 = arith.constant 0 : i32
      %dma_start3A_53 = tpu.memref_slice %arg6[%dma_start3A_51, %dma_start3A_52] : memref<80x16xf32, #tpu.memory_space<vmem>> -> memref<80x16xf32, #tpu.memory_space<vmem>>
      tpu.enqueue_dma source(%dma_start3A_53 : memref<80x16xf32, #tpu.memory_space<vmem>>) target(%dma_start3A_50 : memref<80x16xf32, #tpu.memory_space<vmem_shared>>) target_semaphore(%run_scoped3A : memref<!tpu.dma_semaphore, #tpu.memory_space<semaphore_mem>>)
      %dma_wait3A = arith.constant 0 : i32
      %dma_wait3A_54 = arith.constant 0 : i32
      %dma_wait3A_55 = tpu.memref_slice %arg6[%dma_wait3A, %dma_wait3A_54] : memref<80x16xf32, #tpu.memory_space<vmem>> -> memref<80x16xf32, #tpu.memory_space<vmem>>
      %dma_wait3A_56 = arith.constant 0 : i32
      %dma_wait3A_57 = tpu.memref_slice %arg4[%add3A_20, %dma_wait3A_56] : memref<10240x16xf32, #tpu.memory_space<vmem_shared>> -> memref<80x16xf32, #tpu.memory_space<vmem_shared>>
      %dma_wait3A_58 = arith.constant 0 : i32
      %dma_wait3A_59 = tpu.memref_slice %arg4[%add3A_20, %dma_wait3A_58] : memref<10240x16xf32, #tpu.memory_space<vmem_shared>> -> memref<80x16xf32, #tpu.memory_space<vmem_shared>>
      %dma_wait3A_60 = arith.constant 0 : i32
      %dma_wait3A_61 = arith.constant 0 : i32
      %dma_wait3A_62 = tpu.memref_slice %arg6[%dma_wait3A_60, %dma_wait3A_61] : memref<80x16xf32, #tpu.memory_space<vmem>> -> memref<80x16xf32, #tpu.memory_space<vmem>>
      tpu.wait_dma2 semaphore(%run_scoped3A : memref<!tpu.dma_semaphore, #tpu.memory_space<semaphore_mem>>) src(%dma_wait3A_62 : memref<80x16xf32, #tpu.memory_space<vmem>>) dst(%dma_wait3A_59 : memref<80x16xf32, #tpu.memory_space<vmem_shared>>)
      tpu.yield
    }) : () -> ()
    %add3A_21 = arith.constant 560 : i32
    %add3A_22 = arith.addi %mul3A_0, %add3A_21 : i32
    "tpu.region"() ({
      %run_scoped3A = tpu.sem_alloc : memref<!tpu.dma_semaphore, #tpu.memory_space<semaphore_mem>>
      %dma_start3A = arith.constant 0 : i32
      %dma_start3A_45 = arith.constant 0 : i32
      %dma_start3A_46 = tpu.memref_slice %arg6[%dma_start3A, %dma_start3A_45] : memref<80x16xf32, #tpu.memory_space<vmem>> -> memref<80x16xf32, #tpu.memory_space<vmem>>
      %dma_start3A_47 = arith.constant 0 : i32
      %dma_start3A_48 = tpu.memref_slice %arg4[%add3A_22, %dma_start3A_47] : memref<10240x16xf32, #tpu.memory_space<vmem_shared>> -> memref<80x16xf32, #tpu.memory_space<vmem_shared>>
      %dma_start3A_49 = arith.constant 0 : i32
      %dma_start3A_50 = tpu.memref_slice %arg4[%add3A_22, %dma_start3A_49] : memref<10240x16xf32, #tpu.memory_space<vmem_shared>> -> memref<80x16xf32, #tpu.memory_space<vmem_shared>>
      %dma_start3A_51 = arith.constant 0 : i32
      %dma_start3A_52 = arith.constant 0 : i32
      %dma_start3A_53 = tpu.memref_slice %arg6[%dma_start3A_51, %dma_start3A_52] : memref<80x16xf32, #tpu.memory_space<vmem>> -> memref<80x16xf32, #tpu.memory_space<vmem>>
      tpu.enqueue_dma source(%dma_start3A_53 : memref<80x16xf32, #tpu.memory_space<vmem>>) target(%dma_start3A_50 : memref<80x16xf32, #tpu.memory_space<vmem_shared>>) target_semaphore(%run_scoped3A : memref<!tpu.dma_semaphore, #tpu.memory_space<semaphore_mem>>)
      %dma_wait3A = arith.constant 0 : i32
      %dma_wait3A_54 = arith.constant 0 : i32
      %dma_wait3A_55 = tpu.memref_slice %arg6[%dma_wait3A, %dma_wait3A_54] : memref<80x16xf32, #tpu.memory_space<vmem>> -> memref<80x16xf32, #tpu.memory_space<vmem>>
      %dma_wait3A_56 = arith.constant 0 : i32
      %dma_wait3A_57 = tpu.memref_slice %arg4[%add3A_22, %dma_wait3A_56] : memref<10240x16xf32, #tpu.memory_space<vmem_shared>> -> memref<80x16xf32, #tpu.memory_space<vmem_shared>>
      %dma_wait3A_58 = arith.constant 0 : i32
      %dma_wait3A_59 = tpu.memref_slice %arg4[%add3A_22, %dma_wait3A_58] : memref<10240x16xf32, #tpu.memory_space<vmem_shared>> -> memref<80x16xf32, #tpu.memory_space<vmem_shared>>
      %dma_wait3A_60 = arith.constant 0 : i32
      %dma_wait3A_61 = arith.constant 0 : i32
      %dma_wait3A_62 = tpu.memref_slice %arg6[%dma_wait3A_60, %dma_wait3A_61] : memref<80x16xf32, #tpu.memory_space<vmem>> -> memref<80x16xf32, #tpu.memory_space<vmem>>
      tpu.wait_dma2 semaphore(%run_scoped3A : memref<!tpu.dma_semaphore, #tpu.memory_space<semaphore_mem>>) src(%dma_wait3A_62 : memref<80x16xf32, #tpu.memory_space<vmem>>) dst(%dma_wait3A_59 : memref<80x16xf32, #tpu.memory_space<vmem_shared>>)
      tpu.yield
    }) : () -> ()
    %broadcast_in_dim3A_23 = arith.constant 1.000000e+00 : f32
    %broadcast_in_dim3A_24 = vector.broadcast %broadcast_in_dim3A_23 : f32 to vector<16xf32>
    %scan3A_25 = arith.constant 0 : i32
    %scan3A_26 = arith.constant 0 : i32
    %scan3A_27 = arith.constant 80 : i32
    %scan3A_28 = arith.addi %scan3A_26, %scan3A_27 : i32
    %scan3A_29 = arith.constant 1 : i32
    %scan3A_30 = scf.for %scan3A_45 = %scan3A_26 to %scan3A_28 step %scan3A_29 iter_args(%scan3A_46 = %scan3A_25) -> (i32)  : i32 {
      %swap3A = arith.index_cast %scan3A_45 : i32 to index
      %swap3A_47 = arith.constant 0 : index
      %swap3A_48 = tpu.vector_load %arg6[%swap3A, %swap3A_47] {strides = array<i32>} : memref<80x16xf32, #tpu.memory_space<vmem>>, vector<1x16xf32>,
      %swap3A_49 = vector.shape_cast %swap3A_48 : vector<1x16xf32> to vector<16xf32>
      %swap3A_50 = vector.shape_cast %broadcast_in_dim3A_24 : vector<16xf32> to vector<1x16xf32>
      tpu.vector_store %arg6[%swap3A, %swap3A_47], %swap3A_50 {strides = array<i32>} : memref<80x16xf32, #tpu.memory_space<vmem>>, vector<1x16xf32>,
      %scan3A_51 = arith.constant 0 : i32
      scf.yield %scan3A_51 : i32
    }
    %scan3A_31 = arith.constant 80 : i32
    %barrier3A = arith.constant 0 : index
    tpu.barrier barrier_id(%barrier3A)
    %mul3A_32 = arith.constant 160000 : i32
    %mul3A_33 = arith.muli %arg0, %mul3A_32 : i32
    %mul3A_34 = arith.constant 10000 : i32
    %mul3A_35 = arith.muli %arg1, %mul3A_34 : i32
    %add3A_36 = arith.addi %mul3A_33, %mul3A_35 : i32
    %scan3A_37 = arith.constant 0 : i32
    %scan3A_38 = arith.constant 0 : i32
    %scan3A_39 = arith.constant 125 : i32
    %scan3A_40 = arith.addi %scan3A_38, %scan3A_39 : i32
    %scan3A_41 = arith.constant 1 : i32
    %scan3A_42 = scf.for %scan3A_45 = %scan3A_38 to %scan3A_40 step %scan3A_41 iter_args(%scan3A_46 = %scan3A_37) -> (i32)  : i32 {
      %mul3A_47 = arith.constant 80 : i32
      %mul3A_48 = arith.muli %scan3A_45, %mul3A_47 : i32
      %add3A_49 = arith.addi %add3A_36, %mul3A_48 : i32
      "tpu.region"() ({
        %run_scoped3A = tpu.sem_alloc : memref<!tpu.dma_semaphore, #tpu.memory_space<semaphore_mem>>
        %dma_start3A = tpu.memref_slice %arg2[%add3A_49] : memref<320000xi32, #tpu.memory_space<hbm>> -> memref<80xi32, #tpu.memory_space<hbm>>
        %dma_start3A_51 = tpu.memref_slice %arg2[%add3A_49] : memref<320000xi32, #tpu.memory_space<hbm>> -> memref<80xi32, #tpu.memory_space<hbm>>
        tpu.enqueue_dma source(%dma_start3A_51 : memref<80xi32, #tpu.memory_space<hbm>>) target(%arg5 : memref<80xi32, #tpu.memory_space<vmem>>) target_semaphore(%run_scoped3A : memref<!tpu.dma_semaphore, #tpu.memory_space<semaphore_mem>>)
        %dma_wait3A = tpu.memref_slice %arg2[%add3A_49] : memref<320000xi32, #tpu.memory_space<hbm>> -> memref<80xi32, #tpu.memory_space<hbm>>
        %dma_wait3A_52 = tpu.memref_slice %arg2[%add3A_49] : memref<320000xi32, #tpu.memory_space<hbm>> -> memref<80xi32, #tpu.memory_space<hbm>>
        tpu.wait_dma2 semaphore(%run_scoped3A : memref<!tpu.dma_semaphore, #tpu.memory_space<semaphore_mem>>) src(%dma_wait3A_52 : memref<80xi32, #tpu.memory_space<hbm>>) dst(%arg5 : memref<80xi32, #tpu.memory_space<vmem>>)
        tpu.yield
      }) : () -> ()
      "tpu.region"() ({
        %run_scoped3A = tpu.sem_alloc : memref<!tpu.dma_semaphore, #tpu.memory_space<semaphore_mem>>
        %dma_start3A = arith.constant 0 : i32
        %dma_start3A_51 = arith.constant 0 : i32
        %dma_start3A_52 = tpu.memref_slice %arg4[%dma_start3A, %dma_start3A_51] : memref<10240x16xf32, #tpu.memory_space<vmem_shared>> -> memref<10240x16xf32, #tpu.memory_space<vmem_shared>>
        tpu.enqueue_indirect_dma source(%arg6 : memref<80x16xf32, #tpu.memory_space<vmem>>) target(%dma_start3A_52 : memref<10240x16xf32, #tpu.memory_space<vmem_shared>>) offsets(%arg5 : memref<80xi32, #tpu.memory_space<vmem>>) semaphore(%run_scoped3A : memref<!tpu.dma_semaphore, #tpu.memory_space<semaphore_mem>>) {add = true}
        %dma_wait3A = arith.constant 0 : i32
        %dma_wait3A_53 = arith.constant 0 : i32
        %dma_wait3A_54 = tpu.memref_slice %arg4[%dma_wait3A, %dma_wait3A_53] : memref<10240x16xf32, #tpu.memory_space<vmem_shared>> -> memref<10240x16xf32, #tpu.memory_space<vmem_shared>>
        tpu.wait_indirect_dma semaphore(%run_scoped3A : memref<!tpu.dma_semaphore, #tpu.memory_space<semaphore_mem>>) src(%arg6 : memref<80x16xf32, #tpu.memory_space<vmem>>) dst(%dma_wait3A_54 : memref<10240x16xf32, #tpu.memory_space<vmem_shared>>)
        tpu.yield
      }) : () -> ()
      %scan3A_50 = arith.constant 0 : i32
      scf.yield %scan3A_50 : i32
    }
    %scan3A_43 = arith.constant 125 : i32
    %barrier3A_44 = arith.constant 0 : index
    tpu.barrier barrier_id(%barrier3A_44)
    "tpu.region"() ({
      %run_scoped3A = tpu.sem_alloc : memref<!tpu.dma_semaphore, #tpu.memory_space<semaphore_mem>>
      %dma_start3A = arith.constant 0 : i32
      %dma_start3A_45 = tpu.memref_slice %arg3[%arg0, %mul3A_0, %dma_start3A] : memref<2x10240x16xf32, #tpu.memory_space<hbm>> -> memref<1x640x16xf32, #tpu.memory_space<hbm>>
      %dma_start3A_46 = tpu.memref_squeeze %dma_start3A_45 : memref<1x640x16xf32, #tpu.memory_space<hbm>> -> memref<640x16xf32, #tpu.memory_space<hbm>>
      %dma_start3A_47 = arith.constant 0 : i32
      %dma_start3A_48 = tpu.memref_slice %arg4[%mul3A_0, %dma_start3A_47] : memref<10240x16xf32, #tpu.memory_space<vmem_shared>> -> memref<640x16xf32, #tpu.memory_space<vmem_shared>>
      tpu.enqueue_dma source(%dma_start3A_48 : memref<640x16xf32, #tpu.memory_space<vmem_shared>>) target(%dma_start3A_46 : memref<640x16xf32, #tpu.memory_space<hbm>>) target_semaphore(%run_scoped3A : memref<!tpu.dma_semaphore, #tpu.memory_space<semaphore_mem>>)
      %dma_wait3A = arith.constant 0 : i32
      %dma_wait3A_49 = tpu.memref_slice %arg3[%arg0, %mul3A_0, %dma_wait3A] : memref<2x10240x16xf32, #tpu.memory_space<hbm>> -> memref<1x640x16xf32, #tpu.memory_space<hbm>>
      %dma_wait3A_50 = tpu.memref_squeeze %dma_wait3A_49 : memref<1x640x16xf32, #tpu.memory_space<hbm>> -> memref<640x16xf32, #tpu.memory_space<hbm>>
      %dma_wait3A_51 = arith.constant 0 : i32
      %dma_wait3A_52 = tpu.memref_slice %arg4[%mul3A_0, %dma_wait3A_51] : memref<10240x16xf32, #tpu.memory_space<vmem_shared>> -> memref<640x16xf32, #tpu.memory_space<vmem_shared>>
      tpu.wait_dma2 semaphore(%run_scoped3A : memref<!tpu.dma_semaphore, #tpu.memory_space<semaphore_mem>>) src(%dma_wait3A_52 : memref<640x16xf32, #tpu.memory_space<vmem_shared>>) dst(%dma_wait3A_50 : memref<640x16xf32, #tpu.memory_space<hbm>>)
      tpu.yield
    }) : () -> ()
    return
  }
}

#map = affine_map<(d0, d1) -> (0, 0)>
#map1 = affine_map<(d0, d1) -> (0)>
#map2 = affine_map<(d0, d1) -> (0, 0, 0)>
module attributes {stable_mosaic.version = 14 : i64} {
  func.func @body(%arg0: i32, %arg1: i32, %arg2: memref<10240x128xf32, #tpu.memory_space<hbm>>, %arg3: memref<320000xi32, #tpu.memory_space<hbm>>, %arg4: memref<320000xi32, #tpu.memory_space<hbm>>, %arg5: memref<2x10240x128xf32, #tpu.memory_space<hbm>>, %arg6: memref<10240x128xf32, #tpu.memory_space<vmem_shared>>, %arg7: memref<80xi32, #tpu.memory_space<vmem>>, %arg8: memref<80xi32, #tpu.memory_space<vmem>>, %arg9: memref<80x128xf32, #tpu.memory_space<vmem>>, %arg10: memref<!tpu.dma_semaphore, #tpu.memory_space<semaphore_mem>>) attributes {dimension_semantics = [#tpu.dimension_semantics<core_parallel>, #tpu.dimension_semantics<subcore_parallel>], iteration_bounds = array<i64: 2, 16>, scalar_prefetch = 0 : i64, scratch_operands = 5 : i64, tpu.core_type = #tpu.core_type<sc_vector_subcore>, window_params = [{transform_indices = #map}, {transform_indices = #map1}, {transform_indices = #map1}, {transform_indices = #map2}]} {
    %mul3A = arith.constant 640 : i32
    %mul3A_0 = arith.muli %arg1, %mul3A : i32
    %broadcast_in_dim3A = arith.constant 0.000000e+00 : f32
    %broadcast_in_dim3A_1 = vector.broadcast %broadcast_in_dim3A : f32 to vector<16xf32>
    %scan3A = arith.constant 0 : i32
    %scan3A_2 = arith.constant 0 : i32
    %scan3A_3 = arith.constant 80 : i32
    %scan3A_4 = arith.addi %scan3A_2, %scan3A_3 : i32
    %scan3A_5 = arith.constant 1 : i32
    %scan3A_6 = scf.for %scan3A_36 = %scan3A_2 to %scan3A_4 step %scan3A_5 iter_args(%scan3A_37 = %scan3A) -> (i32)  : i32 {
      %swap3A = arith.index_cast %scan3A_36 : i32 to index
      %swap3A_38 = arith.constant 0 : index
      %swap3A_39 = tpu.vector_load %arg9[%swap3A, %swap3A_38] {strides = array<i32>} : memref<80x128xf32, #tpu.memory_space<vmem>>, vector<1x16xf32>,
      %swap3A_40 = vector.shape_cast %swap3A_39 : vector<1x16xf32> to vector<16xf32>
      %swap3A_41 = vector.shape_cast %broadcast_in_dim3A_1 : vector<16xf32> to vector<1x16xf32>
      tpu.vector_store %arg9[%swap3A, %swap3A_38], %swap3A_41 {strides = array<i32>} : memref<80x128xf32, #tpu.memory_space<vmem>>, vector<1x16xf32>,
      %swap3A_42 = arith.index_cast %scan3A_36 : i32 to index
      %swap3A_43 = arith.constant 16 : index
      %swap3A_44 = tpu.vector_load %arg9[%swap3A_42, %swap3A_43] {strides = array<i32>} : memref<80x128xf32, #tpu.memory_space<vmem>>, vector<1x16xf32>,
      %swap3A_45 = vector.shape_cast %swap3A_44 : vector<1x16xf32> to vector<16xf32>
      %swap3A_46 = vector.shape_cast %broadcast_in_dim3A_1 : vector<16xf32> to vector<1x16xf32>
      tpu.vector_store %arg9[%swap3A_42, %swap3A_43], %swap3A_46 {strides = array<i32>} : memref<80x128xf32, #tpu.memory_space<vmem>>, vector<1x16xf32>,
      %swap3A_47 = arith.index_cast %scan3A_36 : i32 to index
      %swap3A_48 = arith.constant 32 : index
      %swap3A_49 = tpu.vector_load %arg9[%swap3A_47, %swap3A_48] {strides = array<i32>} : memref<80x128xf32, #tpu.memory_space<vmem>>, vector<1x16xf32>,
      %swap3A_50 = vector.shape_cast %swap3A_49 : vector<1x16xf32> to vector<16xf32>
      %swap3A_51 = vector.shape_cast %broadcast_in_dim3A_1 : vector<16xf32> to vector<1x16xf32>
      tpu.vector_store %arg9[%swap3A_47, %swap3A_48], %swap3A_51 {strides = array<i32>} : memref<80x128xf32, #tpu.memory_space<vmem>>, vector<1x16xf32>,
      %swap3A_52 = arith.index_cast %scan3A_36 : i32 to index
      %swap3A_53 = arith.constant 48 : index
      %swap3A_54 = tpu.vector_load %arg9[%swap3A_52, %swap3A_53] {strides = array<i32>} : memref<80x128xf32, #tpu.memory_space<vmem>>, vector<1x16xf32>,
      %swap3A_55 = vector.shape_cast %swap3A_54 : vector<1x16xf32> to vector<16xf32>
      %swap3A_56 = vector.shape_cast %broadcast_in_dim3A_1 : vector<16xf32> to vector<1x16xf32>
      tpu.vector_store %arg9[%swap3A_52, %swap3A_53], %swap3A_56 {strides = array<i32>} : memref<80x128xf32, #tpu.memory_space<vmem>>, vector<1x16xf32>,
      %swap3A_57 = arith.index_cast %scan3A_36 : i32 to index
      %swap3A_58 = arith.constant 64 : index
      %swap3A_59 = tpu.vector_load %arg9[%swap3A_57, %swap3A_58] {strides = array<i32>} : memref<80x128xf32, #tpu.memory_space<vmem>>, vector<1x16xf32>,
      %swap3A_60 = vector.shape_cast %swap3A_59 : vector<1x16xf32> to vector<16xf32>
      %swap3A_61 = vector.shape_cast %broadcast_in_dim3A_1 : vector<16xf32> to vector<1x16xf32>
      tpu.vector_store %arg9[%swap3A_57, %swap3A_58], %swap3A_61 {strides = array<i32>} : memref<80x128xf32, #tpu.memory_space<vmem>>, vector<1x16xf32>,
      %swap3A_62 = arith.index_cast %scan3A_36 : i32 to index
      %swap3A_63 = arith.constant 80 : index
      %swap3A_64 = tpu.vector_load %arg9[%swap3A_62, %swap3A_63] {strides = array<i32>} : memref<80x128xf32, #tpu.memory_space<vmem>>, vector<1x16xf32>,
      %swap3A_65 = vector.shape_cast %swap3A_64 : vector<1x16xf32> to vector<16xf32>
      %swap3A_66 = vector.shape_cast %broadcast_in_dim3A_1 : vector<16xf32> to vector<1x16xf32>
      tpu.vector_store %arg9[%swap3A_62, %swap3A_63], %swap3A_66 {strides = array<i32>} : memref<80x128xf32, #tpu.memory_space<vmem>>, vector<1x16xf32>,
      %swap3A_67 = arith.index_cast %scan3A_36 : i32 to index
      %swap3A_68 = arith.constant 96 : index
      %swap3A_69 = tpu.vector_load %arg9[%swap3A_67, %swap3A_68] {strides = array<i32>} : memref<80x128xf32, #tpu.memory_space<vmem>>, vector<1x16xf32>,
      %swap3A_70 = vector.shape_cast %swap3A_69 : vector<1x16xf32> to vector<16xf32>
      %swap3A_71 = vector.shape_cast %broadcast_in_dim3A_1 : vector<16xf32> to vector<1x16xf32>
      tpu.vector_store %arg9[%swap3A_67, %swap3A_68], %swap3A_71 {strides = array<i32>} : memref<80x128xf32, #tpu.memory_space<vmem>>, vector<1x16xf32>,
      %swap3A_72 = arith.index_cast %scan3A_36 : i32 to index
      %swap3A_73 = arith.constant 112 : index
      %swap3A_74 = tpu.vector_load %arg9[%swap3A_72, %swap3A_73] {strides = array<i32>} : memref<80x128xf32, #tpu.memory_space<vmem>>, vector<1x16xf32>,
      %swap3A_75 = vector.shape_cast %swap3A_74 : vector<1x16xf32> to vector<16xf32>
      %swap3A_76 = vector.shape_cast %broadcast_in_dim3A_1 : vector<16xf32> to vector<1x16xf32>
      tpu.vector_store %arg9[%swap3A_72, %swap3A_73], %swap3A_76 {strides = array<i32>} : memref<80x128xf32, #tpu.memory_space<vmem>>, vector<1x16xf32>,
      %scan3A_77 = arith.constant 0 : i32
      scf.yield %scan3A_77 : i32
    }
    %scan3A_7 = arith.constant 80 : i32
    %add3A = arith.constant 0 : i32
    %add3A_8 = arith.addi %mul3A_0, %add3A : i32
    "tpu.region"() ({
      %run_scoped3A = tpu.sem_alloc : memref<!tpu.dma_semaphore, #tpu.memory_space<semaphore_mem>>
      %dma_start3A = arith.constant 0 : i32
      %dma_start3A_36 = arith.constant 0 : i32
      %dma_start3A_37 = tpu.memref_slice %arg9[%dma_start3A, %dma_start3A_36] : memref<80x128xf32, #tpu.memory_space<vmem>> -> memref<80x128xf32, #tpu.memory_space<vmem>>
      %dma_start3A_38 = arith.constant 0 : i32
      %dma_start3A_39 = tpu.memref_slice %arg6[%add3A_8, %dma_start3A_38] : memref<10240x128xf32, #tpu.memory_space<vmem_shared>> -> memref<80x128xf32, #tpu.memory_space<vmem_shared>>
      %dma_start3A_40 = arith.constant 0 : i32
      %dma_start3A_41 = tpu.memref_slice %arg6[%add3A_8, %dma_start3A_40] : memref<10240x128xf32, #tpu.memory_space<vmem_shared>> -> memref<80x128xf32, #tpu.memory_space<vmem_shared>>
      %dma_start3A_42 = arith.constant 0 : i32
      %dma_start3A_43 = arith.constant 0 : i32
      %dma_start3A_44 = tpu.memref_slice %arg9[%dma_start3A_42, %dma_start3A_43] : memref<80x128xf32, #tpu.memory_space<vmem>> -> memref<80x128xf32, #tpu.memory_space<vmem>>
      tpu.enqueue_dma source(%dma_start3A_44 : memref<80x128xf32, #tpu.memory_space<vmem>>) target(%dma_start3A_41 : memref<80x128xf32, #tpu.memory_space<vmem_shared>>) target_semaphore(%run_scoped3A : memref<!tpu.dma_semaphore, #tpu.memory_space<semaphore_mem>>)
      %dma_wait3A = arith.constant 0 : i32
      %dma_wait3A_45 = arith.constant 0 : i32
      %dma_wait3A_46 = tpu.memref_slice %arg9[%dma_wait3A, %dma_wait3A_45] : memref<80x128xf32, #tpu.memory_space<vmem>> -> memref<80x128xf32, #tpu.memory_space<vmem>>
      %dma_wait3A_47 = arith.constant 0 : i32
      %dma_wait3A_48 = tpu.memref_slice %arg6[%add3A_8, %dma_wait3A_47] : memref<10240x128xf32, #tpu.memory_space<vmem_shared>> -> memref<80x128xf32, #tpu.memory_space<vmem_shared>>
      %dma_wait3A_49 = arith.constant 0 : i32
      %dma_wait3A_50 = tpu.memref_slice %arg6[%add3A_8, %dma_wait3A_49] : memref<10240x128xf32, #tpu.memory_space<vmem_shared>> -> memref<80x128xf32, #tpu.memory_space<vmem_shared>>
      %dma_wait3A_51 = arith.constant 0 : i32
      %dma_wait3A_52 = arith.constant 0 : i32
      %dma_wait3A_53 = tpu.memref_slice %arg9[%dma_wait3A_51, %dma_wait3A_52] : memref<80x128xf32, #tpu.memory_space<vmem>> -> memref<80x128xf32, #tpu.memory_space<vmem>>
      tpu.wait_dma2 semaphore(%run_scoped3A : memref<!tpu.dma_semaphore, #tpu.memory_space<semaphore_mem>>) src(%dma_wait3A_53 : memref<80x128xf32, #tpu.memory_space<vmem>>) dst(%dma_wait3A_50 : memref<80x128xf32, #tpu.memory_space<vmem_shared>>)
      tpu.yield
    }) : () -> ()
    %add3A_9 = arith.constant 80 : i32
    %add3A_10 = arith.addi %mul3A_0, %add3A_9 : i32
    "tpu.region"() ({
      %run_scoped3A = tpu.sem_alloc : memref<!tpu.dma_semaphore, #tpu.memory_space<semaphore_mem>>
      %dma_start3A = arith.constant 0 : i32
      %dma_start3A_36 = arith.constant 0 : i32
      %dma_start3A_37 = tpu.memref_slice %arg9[%dma_start3A, %dma_start3A_36] : memref<80x128xf32, #tpu.memory_space<vmem>> -> memref<80x128xf32, #tpu.memory_space<vmem>>
      %dma_start3A_38 = arith.constant 0 : i32
      %dma_start3A_39 = tpu.memref_slice %arg6[%add3A_10, %dma_start3A_38] : memref<10240x128xf32, #tpu.memory_space<vmem_shared>> -> memref<80x128xf32, #tpu.memory_space<vmem_shared>>
      %dma_start3A_40 = arith.constant 0 : i32
      %dma_start3A_41 = tpu.memref_slice %arg6[%add3A_10, %dma_start3A_40] : memref<10240x128xf32, #tpu.memory_space<vmem_shared>> -> memref<80x128xf32, #tpu.memory_space<vmem_shared>>
      %dma_start3A_42 = arith.constant 0 : i32
      %dma_start3A_43 = arith.constant 0 : i32
      %dma_start3A_44 = tpu.memref_slice %arg9[%dma_start3A_42, %dma_start3A_43] : memref<80x128xf32, #tpu.memory_space<vmem>> -> memref<80x128xf32, #tpu.memory_space<vmem>>
      tpu.enqueue_dma source(%dma_start3A_44 : memref<80x128xf32, #tpu.memory_space<vmem>>) target(%dma_start3A_41 : memref<80x128xf32, #tpu.memory_space<vmem_shared>>) target_semaphore(%run_scoped3A : memref<!tpu.dma_semaphore, #tpu.memory_space<semaphore_mem>>)
      %dma_wait3A = arith.constant 0 : i32
      %dma_wait3A_45 = arith.constant 0 : i32
      %dma_wait3A_46 = tpu.memref_slice %arg9[%dma_wait3A, %dma_wait3A_45] : memref<80x128xf32, #tpu.memory_space<vmem>> -> memref<80x128xf32, #tpu.memory_space<vmem>>
      %dma_wait3A_47 = arith.constant 0 : i32
      %dma_wait3A_48 = tpu.memref_slice %arg6[%add3A_10, %dma_wait3A_47] : memref<10240x128xf32, #tpu.memory_space<vmem_shared>> -> memref<80x128xf32, #tpu.memory_space<vmem_shared>>
      %dma_wait3A_49 = arith.constant 0 : i32
      %dma_wait3A_50 = tpu.memref_slice %arg6[%add3A_10, %dma_wait3A_49] : memref<10240x128xf32, #tpu.memory_space<vmem_shared>> -> memref<80x128xf32, #tpu.memory_space<vmem_shared>>
      %dma_wait3A_51 = arith.constant 0 : i32
      %dma_wait3A_52 = arith.constant 0 : i32
      %dma_wait3A_53 = tpu.memref_slice %arg9[%dma_wait3A_51, %dma_wait3A_52] : memref<80x128xf32, #tpu.memory_space<vmem>> -> memref<80x128xf32, #tpu.memory_space<vmem>>
      tpu.wait_dma2 semaphore(%run_scoped3A : memref<!tpu.dma_semaphore, #tpu.memory_space<semaphore_mem>>) src(%dma_wait3A_53 : memref<80x128xf32, #tpu.memory_space<vmem>>) dst(%dma_wait3A_50 : memref<80x128xf32, #tpu.memory_space<vmem_shared>>)
      tpu.yield
    }) : () -> ()
    %add3A_11 = arith.constant 160 : i32
    %add3A_12 = arith.addi %mul3A_0, %add3A_11 : i32
    "tpu.region"() ({
      %run_scoped3A = tpu.sem_alloc : memref<!tpu.dma_semaphore, #tpu.memory_space<semaphore_mem>>
      %dma_start3A = arith.constant 0 : i32
      %dma_start3A_36 = arith.constant 0 : i32
      %dma_start3A_37 = tpu.memref_slice %arg9[%dma_start3A, %dma_start3A_36] : memref<80x128xf32, #tpu.memory_space<vmem>> -> memref<80x128xf32, #tpu.memory_space<vmem>>
      %dma_start3A_38 = arith.constant 0 : i32
      %dma_start3A_39 = tpu.memref_slice %arg6[%add3A_12, %dma_start3A_38] : memref<10240x128xf32, #tpu.memory_space<vmem_shared>> -> memref<80x128xf32, #tpu.memory_space<vmem_shared>>
      %dma_start3A_40 = arith.constant 0 : i32
      %dma_start3A_41 = tpu.memref_slice %arg6[%add3A_12, %dma_start3A_40] : memref<10240x128xf32, #tpu.memory_space<vmem_shared>> -> memref<80x128xf32, #tpu.memory_space<vmem_shared>>
      %dma_start3A_42 = arith.constant 0 : i32
      %dma_start3A_43 = arith.constant 0 : i32
      %dma_start3A_44 = tpu.memref_slice %arg9[%dma_start3A_42, %dma_start3A_43] : memref<80x128xf32, #tpu.memory_space<vmem>> -> memref<80x128xf32, #tpu.memory_space<vmem>>
      tpu.enqueue_dma source(%dma_start3A_44 : memref<80x128xf32, #tpu.memory_space<vmem>>) target(%dma_start3A_41 : memref<80x128xf32, #tpu.memory_space<vmem_shared>>) target_semaphore(%run_scoped3A : memref<!tpu.dma_semaphore, #tpu.memory_space<semaphore_mem>>)
      %dma_wait3A = arith.constant 0 : i32
      %dma_wait3A_45 = arith.constant 0 : i32
      %dma_wait3A_46 = tpu.memref_slice %arg9[%dma_wait3A, %dma_wait3A_45] : memref<80x128xf32, #tpu.memory_space<vmem>> -> memref<80x128xf32, #tpu.memory_space<vmem>>
      %dma_wait3A_47 = arith.constant 0 : i32
      %dma_wait3A_48 = tpu.memref_slice %arg6[%add3A_12, %dma_wait3A_47] : memref<10240x128xf32, #tpu.memory_space<vmem_shared>> -> memref<80x128xf32, #tpu.memory_space<vmem_shared>>
      %dma_wait3A_49 = arith.constant 0 : i32
      %dma_wait3A_50 = tpu.memref_slice %arg6[%add3A_12, %dma_wait3A_49] : memref<10240x128xf32, #tpu.memory_space<vmem_shared>> -> memref<80x128xf32, #tpu.memory_space<vmem_shared>>
      %dma_wait3A_51 = arith.constant 0 : i32
      %dma_wait3A_52 = arith.constant 0 : i32
      %dma_wait3A_53 = tpu.memref_slice %arg9[%dma_wait3A_51, %dma_wait3A_52] : memref<80x128xf32, #tpu.memory_space<vmem>> -> memref<80x128xf32, #tpu.memory_space<vmem>>
      tpu.wait_dma2 semaphore(%run_scoped3A : memref<!tpu.dma_semaphore, #tpu.memory_space<semaphore_mem>>) src(%dma_wait3A_53 : memref<80x128xf32, #tpu.memory_space<vmem>>) dst(%dma_wait3A_50 : memref<80x128xf32, #tpu.memory_space<vmem_shared>>)
      tpu.yield
    }) : () -> ()
    %add3A_13 = arith.constant 240 : i32
    %add3A_14 = arith.addi %mul3A_0, %add3A_13 : i32
    "tpu.region"() ({
      %run_scoped3A = tpu.sem_alloc : memref<!tpu.dma_semaphore, #tpu.memory_space<semaphore_mem>>
      %dma_start3A = arith.constant 0 : i32
      %dma_start3A_36 = arith.constant 0 : i32
      %dma_start3A_37 = tpu.memref_slice %arg9[%dma_start3A, %dma_start3A_36] : memref<80x128xf32, #tpu.memory_space<vmem>> -> memref<80x128xf32, #tpu.memory_space<vmem>>
      %dma_start3A_38 = arith.constant 0 : i32
      %dma_start3A_39 = tpu.memref_slice %arg6[%add3A_14, %dma_start3A_38] : memref<10240x128xf32, #tpu.memory_space<vmem_shared>> -> memref<80x128xf32, #tpu.memory_space<vmem_shared>>
      %dma_start3A_40 = arith.constant 0 : i32
      %dma_start3A_41 = tpu.memref_slice %arg6[%add3A_14, %dma_start3A_40] : memref<10240x128xf32, #tpu.memory_space<vmem_shared>> -> memref<80x128xf32, #tpu.memory_space<vmem_shared>>
      %dma_start3A_42 = arith.constant 0 : i32
      %dma_start3A_43 = arith.constant 0 : i32
      %dma_start3A_44 = tpu.memref_slice %arg9[%dma_start3A_42, %dma_start3A_43] : memref<80x128xf32, #tpu.memory_space<vmem>> -> memref<80x128xf32, #tpu.memory_space<vmem>>
      tpu.enqueue_dma source(%dma_start3A_44 : memref<80x128xf32, #tpu.memory_space<vmem>>) target(%dma_start3A_41 : memref<80x128xf32, #tpu.memory_space<vmem_shared>>) target_semaphore(%run_scoped3A : memref<!tpu.dma_semaphore, #tpu.memory_space<semaphore_mem>>)
      %dma_wait3A = arith.constant 0 : i32
      %dma_wait3A_45 = arith.constant 0 : i32
      %dma_wait3A_46 = tpu.memref_slice %arg9[%dma_wait3A, %dma_wait3A_45] : memref<80x128xf32, #tpu.memory_space<vmem>> -> memref<80x128xf32, #tpu.memory_space<vmem>>
      %dma_wait3A_47 = arith.constant 0 : i32
      %dma_wait3A_48 = tpu.memref_slice %arg6[%add3A_14, %dma_wait3A_47] : memref<10240x128xf32, #tpu.memory_space<vmem_shared>> -> memref<80x128xf32, #tpu.memory_space<vmem_shared>>
      %dma_wait3A_49 = arith.constant 0 : i32
      %dma_wait3A_50 = tpu.memref_slice %arg6[%add3A_14, %dma_wait3A_49] : memref<10240x128xf32, #tpu.memory_space<vmem_shared>> -> memref<80x128xf32, #tpu.memory_space<vmem_shared>>
      %dma_wait3A_51 = arith.constant 0 : i32
      %dma_wait3A_52 = arith.constant 0 : i32
      %dma_wait3A_53 = tpu.memref_slice %arg9[%dma_wait3A_51, %dma_wait3A_52] : memref<80x128xf32, #tpu.memory_space<vmem>> -> memref<80x128xf32, #tpu.memory_space<vmem>>
      tpu.wait_dma2 semaphore(%run_scoped3A : memref<!tpu.dma_semaphore, #tpu.memory_space<semaphore_mem>>) src(%dma_wait3A_53 : memref<80x128xf32, #tpu.memory_space<vmem>>) dst(%dma_wait3A_50 : memref<80x128xf32, #tpu.memory_space<vmem_shared>>)
      tpu.yield
    }) : () -> ()
    %add3A_15 = arith.constant 320 : i32
    %add3A_16 = arith.addi %mul3A_0, %add3A_15 : i32
    "tpu.region"() ({
      %run_scoped3A = tpu.sem_alloc : memref<!tpu.dma_semaphore, #tpu.memory_space<semaphore_mem>>
      %dma_start3A = arith.constant 0 : i32
      %dma_start3A_36 = arith.constant 0 : i32
      %dma_start3A_37 = tpu.memref_slice %arg9[%dma_start3A, %dma_start3A_36] : memref<80x128xf32, #tpu.memory_space<vmem>> -> memref<80x128xf32, #tpu.memory_space<vmem>>
      %dma_start3A_38 = arith.constant 0 : i32
      %dma_start3A_39 = tpu.memref_slice %arg6[%add3A_16, %dma_start3A_38] : memref<10240x128xf32, #tpu.memory_space<vmem_shared>> -> memref<80x128xf32, #tpu.memory_space<vmem_shared>>
      %dma_start3A_40 = arith.constant 0 : i32
      %dma_start3A_41 = tpu.memref_slice %arg6[%add3A_16, %dma_start3A_40] : memref<10240x128xf32, #tpu.memory_space<vmem_shared>> -> memref<80x128xf32, #tpu.memory_space<vmem_shared>>
      %dma_start3A_42 = arith.constant 0 : i32
      %dma_start3A_43 = arith.constant 0 : i32
      %dma_start3A_44 = tpu.memref_slice %arg9[%dma_start3A_42, %dma_start3A_43] : memref<80x128xf32, #tpu.memory_space<vmem>> -> memref<80x128xf32, #tpu.memory_space<vmem>>
      tpu.enqueue_dma source(%dma_start3A_44 : memref<80x128xf32, #tpu.memory_space<vmem>>) target(%dma_start3A_41 : memref<80x128xf32, #tpu.memory_space<vmem_shared>>) target_semaphore(%run_scoped3A : memref<!tpu.dma_semaphore, #tpu.memory_space<semaphore_mem>>)
      %dma_wait3A = arith.constant 0 : i32
      %dma_wait3A_45 = arith.constant 0 : i32
      %dma_wait3A_46 = tpu.memref_slice %arg9[%dma_wait3A, %dma_wait3A_45] : memref<80x128xf32, #tpu.memory_space<vmem>> -> memref<80x128xf32, #tpu.memory_space<vmem>>
      %dma_wait3A_47 = arith.constant 0 : i32
      %dma_wait3A_48 = tpu.memref_slice %arg6[%add3A_16, %dma_wait3A_47] : memref<10240x128xf32, #tpu.memory_space<vmem_shared>> -> memref<80x128xf32, #tpu.memory_space<vmem_shared>>
      %dma_wait3A_49 = arith.constant 0 : i32
      %dma_wait3A_50 = tpu.memref_slice %arg6[%add3A_16, %dma_wait3A_49] : memref<10240x128xf32, #tpu.memory_space<vmem_shared>> -> memref<80x128xf32, #tpu.memory_space<vmem_shared>>
      %dma_wait3A_51 = arith.constant 0 : i32
      %dma_wait3A_52 = arith.constant 0 : i32
      %dma_wait3A_53 = tpu.memref_slice %arg9[%dma_wait3A_51, %dma_wait3A_52] : memref<80x128xf32, #tpu.memory_space<vmem>> -> memref<80x128xf32, #tpu.memory_space<vmem>>
      tpu.wait_dma2 semaphore(%run_scoped3A : memref<!tpu.dma_semaphore, #tpu.memory_space<semaphore_mem>>) src(%dma_wait3A_53 : memref<80x128xf32, #tpu.memory_space<vmem>>) dst(%dma_wait3A_50 : memref<80x128xf32, #tpu.memory_space<vmem_shared>>)
      tpu.yield
    }) : () -> ()
    %add3A_17 = arith.constant 400 : i32
    %add3A_18 = arith.addi %mul3A_0, %add3A_17 : i32
    "tpu.region"() ({
      %run_scoped3A = tpu.sem_alloc : memref<!tpu.dma_semaphore, #tpu.memory_space<semaphore_mem>>
      %dma_start3A = arith.constant 0 : i32
      %dma_start3A_36 = arith.constant 0 : i32
      %dma_start3A_37 = tpu.memref_slice %arg9[%dma_start3A, %dma_start3A_36] : memref<80x128xf32, #tpu.memory_space<vmem>> -> memref<80x128xf32, #tpu.memory_space<vmem>>
      %dma_start3A_38 = arith.constant 0 : i32
      %dma_start3A_39 = tpu.memref_slice %arg6[%add3A_18, %dma_start3A_38] : memref<10240x128xf32, #tpu.memory_space<vmem_shared>> -> memref<80x128xf32, #tpu.memory_space<vmem_shared>>
      %dma_start3A_40 = arith.constant 0 : i32
      %dma_start3A_41 = tpu.memref_slice %arg6[%add3A_18, %dma_start3A_40] : memref<10240x128xf32, #tpu.memory_space<vmem_shared>> -> memref<80x128xf32, #tpu.memory_space<vmem_shared>>
      %dma_start3A_42 = arith.constant 0 : i32
      %dma_start3A_43 = arith.constant 0 : i32
      %dma_start3A_44 = tpu.memref_slice %arg9[%dma_start3A_42, %dma_start3A_43] : memref<80x128xf32, #tpu.memory_space<vmem>> -> memref<80x128xf32, #tpu.memory_space<vmem>>
      tpu.enqueue_dma source(%dma_start3A_44 : memref<80x128xf32, #tpu.memory_space<vmem>>) target(%dma_start3A_41 : memref<80x128xf32, #tpu.memory_space<vmem_shared>>) target_semaphore(%run_scoped3A : memref<!tpu.dma_semaphore, #tpu.memory_space<semaphore_mem>>)
      %dma_wait3A = arith.constant 0 : i32
      %dma_wait3A_45 = arith.constant 0 : i32
      %dma_wait3A_46 = tpu.memref_slice %arg9[%dma_wait3A, %dma_wait3A_45] : memref<80x128xf32, #tpu.memory_space<vmem>> -> memref<80x128xf32, #tpu.memory_space<vmem>>
      %dma_wait3A_47 = arith.constant 0 : i32
      %dma_wait3A_48 = tpu.memref_slice %arg6[%add3A_18, %dma_wait3A_47] : memref<10240x128xf32, #tpu.memory_space<vmem_shared>> -> memref<80x128xf32, #tpu.memory_space<vmem_shared>>
      %dma_wait3A_49 = arith.constant 0 : i32
      %dma_wait3A_50 = tpu.memref_slice %arg6[%add3A_18, %dma_wait3A_49] : memref<10240x128xf32, #tpu.memory_space<vmem_shared>> -> memref<80x128xf32, #tpu.memory_space<vmem_shared>>
      %dma_wait3A_51 = arith.constant 0 : i32
      %dma_wait3A_52 = arith.constant 0 : i32
      %dma_wait3A_53 = tpu.memref_slice %arg9[%dma_wait3A_51, %dma_wait3A_52] : memref<80x128xf32, #tpu.memory_space<vmem>> -> memref<80x128xf32, #tpu.memory_space<vmem>>
      tpu.wait_dma2 semaphore(%run_scoped3A : memref<!tpu.dma_semaphore, #tpu.memory_space<semaphore_mem>>) src(%dma_wait3A_53 : memref<80x128xf32, #tpu.memory_space<vmem>>) dst(%dma_wait3A_50 : memref<80x128xf32, #tpu.memory_space<vmem_shared>>)
      tpu.yield
    }) : () -> ()
    %add3A_19 = arith.constant 480 : i32
    %add3A_20 = arith.addi %mul3A_0, %add3A_19 : i32
    "tpu.region"() ({
      %run_scoped3A = tpu.sem_alloc : memref<!tpu.dma_semaphore, #tpu.memory_space<semaphore_mem>>
      %dma_start3A = arith.constant 0 : i32
      %dma_start3A_36 = arith.constant 0 : i32
      %dma_start3A_37 = tpu.memref_slice %arg9[%dma_start3A, %dma_start3A_36] : memref<80x128xf32, #tpu.memory_space<vmem>> -> memref<80x128xf32, #tpu.memory_space<vmem>>
      %dma_start3A_38 = arith.constant 0 : i32
      %dma_start3A_39 = tpu.memref_slice %arg6[%add3A_20, %dma_start3A_38] : memref<10240x128xf32, #tpu.memory_space<vmem_shared>> -> memref<80x128xf32, #tpu.memory_space<vmem_shared>>
      %dma_start3A_40 = arith.constant 0 : i32
      %dma_start3A_41 = tpu.memref_slice %arg6[%add3A_20, %dma_start3A_40] : memref<10240x128xf32, #tpu.memory_space<vmem_shared>> -> memref<80x128xf32, #tpu.memory_space<vmem_shared>>
      %dma_start3A_42 = arith.constant 0 : i32
      %dma_start3A_43 = arith.constant 0 : i32
      %dma_start3A_44 = tpu.memref_slice %arg9[%dma_start3A_42, %dma_start3A_43] : memref<80x128xf32, #tpu.memory_space<vmem>> -> memref<80x128xf32, #tpu.memory_space<vmem>>
      tpu.enqueue_dma source(%dma_start3A_44 : memref<80x128xf32, #tpu.memory_space<vmem>>) target(%dma_start3A_41 : memref<80x128xf32, #tpu.memory_space<vmem_shared>>) target_semaphore(%run_scoped3A : memref<!tpu.dma_semaphore, #tpu.memory_space<semaphore_mem>>)
      %dma_wait3A = arith.constant 0 : i32
      %dma_wait3A_45 = arith.constant 0 : i32
      %dma_wait3A_46 = tpu.memref_slice %arg9[%dma_wait3A, %dma_wait3A_45] : memref<80x128xf32, #tpu.memory_space<vmem>> -> memref<80x128xf32, #tpu.memory_space<vmem>>
      %dma_wait3A_47 = arith.constant 0 : i32
      %dma_wait3A_48 = tpu.memref_slice %arg6[%add3A_20, %dma_wait3A_47] : memref<10240x128xf32, #tpu.memory_space<vmem_shared>> -> memref<80x128xf32, #tpu.memory_space<vmem_shared>>
      %dma_wait3A_49 = arith.constant 0 : i32
      %dma_wait3A_50 = tpu.memref_slice %arg6[%add3A_20, %dma_wait3A_49] : memref<10240x128xf32, #tpu.memory_space<vmem_shared>> -> memref<80x128xf32, #tpu.memory_space<vmem_shared>>
      %dma_wait3A_51 = arith.constant 0 : i32
      %dma_wait3A_52 = arith.constant 0 : i32
      %dma_wait3A_53 = tpu.memref_slice %arg9[%dma_wait3A_51, %dma_wait3A_52] : memref<80x128xf32, #tpu.memory_space<vmem>> -> memref<80x128xf32, #tpu.memory_space<vmem>>
      tpu.wait_dma2 semaphore(%run_scoped3A : memref<!tpu.dma_semaphore, #tpu.memory_space<semaphore_mem>>) src(%dma_wait3A_53 : memref<80x128xf32, #tpu.memory_space<vmem>>) dst(%dma_wait3A_50 : memref<80x128xf32, #tpu.memory_space<vmem_shared>>)
      tpu.yield
    }) : () -> ()
    %add3A_21 = arith.constant 560 : i32
    %add3A_22 = arith.addi %mul3A_0, %add3A_21 : i32
    "tpu.region"() ({
      %run_scoped3A = tpu.sem_alloc : memref<!tpu.dma_semaphore, #tpu.memory_space<semaphore_mem>>
      %dma_start3A = arith.constant 0 : i32
      %dma_start3A_36 = arith.constant 0 : i32
      %dma_start3A_37 = tpu.memref_slice %arg9[%dma_start3A, %dma_start3A_36] : memref<80x128xf32, #tpu.memory_space<vmem>> -> memref<80x128xf32, #tpu.memory_space<vmem>>
      %dma_start3A_38 = arith.constant 0 : i32
      %dma_start3A_39 = tpu.memref_slice %arg6[%add3A_22, %dma_start3A_38] : memref<10240x128xf32, #tpu.memory_space<vmem_shared>> -> memref<80x128xf32, #tpu.memory_space<vmem_shared>>
      %dma_start3A_40 = arith.constant 0 : i32
      %dma_start3A_41 = tpu.memref_slice %arg6[%add3A_22, %dma_start3A_40] : memref<10240x128xf32, #tpu.memory_space<vmem_shared>> -> memref<80x128xf32, #tpu.memory_space<vmem_shared>>
      %dma_start3A_42 = arith.constant 0 : i32
      %dma_start3A_43 = arith.constant 0 : i32
      %dma_start3A_44 = tpu.memref_slice %arg9[%dma_start3A_42, %dma_start3A_43] : memref<80x128xf32, #tpu.memory_space<vmem>> -> memref<80x128xf32, #tpu.memory_space<vmem>>
      tpu.enqueue_dma source(%dma_start3A_44 : memref<80x128xf32, #tpu.memory_space<vmem>>) target(%dma_start3A_41 : memref<80x128xf32, #tpu.memory_space<vmem_shared>>) target_semaphore(%run_scoped3A : memref<!tpu.dma_semaphore, #tpu.memory_space<semaphore_mem>>)
      %dma_wait3A = arith.constant 0 : i32
      %dma_wait3A_45 = arith.constant 0 : i32
      %dma_wait3A_46 = tpu.memref_slice %arg9[%dma_wait3A, %dma_wait3A_45] : memref<80x128xf32, #tpu.memory_space<vmem>> -> memref<80x128xf32, #tpu.memory_space<vmem>>
      %dma_wait3A_47 = arith.constant 0 : i32
      %dma_wait3A_48 = tpu.memref_slice %arg6[%add3A_22, %dma_wait3A_47] : memref<10240x128xf32, #tpu.memory_space<vmem_shared>> -> memref<80x128xf32, #tpu.memory_space<vmem_shared>>
      %dma_wait3A_49 = arith.constant 0 : i32
      %dma_wait3A_50 = tpu.memref_slice %arg6[%add3A_22, %dma_wait3A_49] : memref<10240x128xf32, #tpu.memory_space<vmem_shared>> -> memref<80x128xf32, #tpu.memory_space<vmem_shared>>
      %dma_wait3A_51 = arith.constant 0 : i32
      %dma_wait3A_52 = arith.constant 0 : i32
      %dma_wait3A_53 = tpu.memref_slice %arg9[%dma_wait3A_51, %dma_wait3A_52] : memref<80x128xf32, #tpu.memory_space<vmem>> -> memref<80x128xf32, #tpu.memory_space<vmem>>
      tpu.wait_dma2 semaphore(%run_scoped3A : memref<!tpu.dma_semaphore, #tpu.memory_space<semaphore_mem>>) src(%dma_wait3A_53 : memref<80x128xf32, #tpu.memory_space<vmem>>) dst(%dma_wait3A_50 : memref<80x128xf32, #tpu.memory_space<vmem_shared>>)
      tpu.yield
    }) : () -> ()
    %barrier3A = arith.constant 0 : index
    tpu.barrier barrier_id(%barrier3A)
    %mul3A_23 = arith.constant 160000 : i32
    %mul3A_24 = arith.muli %arg0, %mul3A_23 : i32
    %mul3A_25 = arith.constant 10000 : i32
    %mul3A_26 = arith.muli %arg1, %mul3A_25 : i32
    %add3A_27 = arith.addi %mul3A_24, %mul3A_26 : i32
    %scan3A_28 = arith.constant 0 : i32
    %scan3A_29 = arith.constant 0 : i32
    %scan3A_30 = arith.constant 125 : i32
    %scan3A_31 = arith.addi %scan3A_29, %scan3A_30 : i32
    %scan3A_32 = arith.constant 1 : i32
    %scan3A_33 = scf.for %scan3A_36 = %scan3A_29 to %scan3A_31 step %scan3A_32 iter_args(%scan3A_37 = %scan3A_28) -> (i32)  : i32 {
      %mul3A_38 = arith.constant 80 : i32
      %mul3A_39 = arith.muli %scan3A_36, %mul3A_38 : i32
      %add3A_40 = arith.addi %add3A_27, %mul3A_39 : i32
      "tpu.region"() ({
        %run_scoped3A = tpu.sem_alloc : memref<!tpu.dma_semaphore, #tpu.memory_space<semaphore_mem>>
        %dma_start3A_46 = tpu.memref_slice %arg3[%add3A_40] : memref<320000xi32, #tpu.memory_space<hbm>> -> memref<80xi32, #tpu.memory_space<hbm>>
        %dma_start3A_47 = tpu.memref_slice %arg3[%add3A_40] : memref<320000xi32, #tpu.memory_space<hbm>> -> memref<80xi32, #tpu.memory_space<hbm>>
        tpu.enqueue_dma source(%dma_start3A_47 : memref<80xi32, #tpu.memory_space<hbm>>) target(%arg7 : memref<80xi32, #tpu.memory_space<vmem>>) target_semaphore(%run_scoped3A : memref<!tpu.dma_semaphore, #tpu.memory_space<semaphore_mem>>)
        %dma_wait3A_48 = tpu.memref_slice %arg3[%add3A_40] : memref<320000xi32, #tpu.memory_space<hbm>> -> memref<80xi32, #tpu.memory_space<hbm>>
        %dma_wait3A_49 = tpu.memref_slice %arg3[%add3A_40] : memref<320000xi32, #tpu.memory_space<hbm>> -> memref<80xi32, #tpu.memory_space<hbm>>
        tpu.wait_dma2 semaphore(%run_scoped3A : memref<!tpu.dma_semaphore, #tpu.memory_space<semaphore_mem>>) src(%dma_wait3A_49 : memref<80xi32, #tpu.memory_space<hbm>>) dst(%arg7 : memref<80xi32, #tpu.memory_space<vmem>>)
        tpu.yield
      }) : () -> ()
      "tpu.region"() ({
        %run_scoped3A = tpu.sem_alloc : memref<!tpu.dma_semaphore, #tpu.memory_space<semaphore_mem>>
        %dma_start3A_46 = tpu.memref_slice %arg4[%add3A_40] : memref<320000xi32, #tpu.memory_space<hbm>> -> memref<80xi32, #tpu.memory_space<hbm>>
        %dma_start3A_47 = tpu.memref_slice %arg4[%add3A_40] : memref<320000xi32, #tpu.memory_space<hbm>> -> memref<80xi32, #tpu.memory_space<hbm>>
        tpu.enqueue_dma source(%dma_start3A_47 : memref<80xi32, #tpu.memory_space<hbm>>) target(%arg8 : memref<80xi32, #tpu.memory_space<vmem>>) target_semaphore(%run_scoped3A : memref<!tpu.dma_semaphore, #tpu.memory_space<semaphore_mem>>)
        %dma_wait3A_48 = tpu.memref_slice %arg4[%add3A_40] : memref<320000xi32, #tpu.memory_space<hbm>> -> memref<80xi32, #tpu.memory_space<hbm>>
        %dma_wait3A_49 = tpu.memref_slice %arg4[%add3A_40] : memref<320000xi32, #tpu.memory_space<hbm>> -> memref<80xi32, #tpu.memory_space<hbm>>
        tpu.wait_dma2 semaphore(%run_scoped3A : memref<!tpu.dma_semaphore, #tpu.memory_space<semaphore_mem>>) src(%dma_wait3A_49 : memref<80xi32, #tpu.memory_space<hbm>>) dst(%arg8 : memref<80xi32, #tpu.memory_space<vmem>>)
        tpu.yield
      }) : () -> ()
      %dma_start3A = arith.constant 0 : i32
      %dma_start3A_41 = arith.constant 0 : i32
      %dma_start3A_42 = tpu.memref_slice %arg2[%dma_start3A, %dma_start3A_41] : memref<10240x128xf32, #tpu.memory_space<hbm>> -> memref<10240x128xf32, #tpu.memory_space<hbm>>
      tpu.enqueue_indirect_dma source(%dma_start3A_42 : memref<10240x128xf32, #tpu.memory_space<hbm>>) target(%arg9 : memref<80x128xf32, #tpu.memory_space<vmem>>) offsets(%arg7 : memref<80xi32, #tpu.memory_space<vmem>>) semaphore(%arg10 : memref<!tpu.dma_semaphore, #tpu.memory_space<semaphore_mem>>)
      %dma_wait3A = arith.constant 0 : i32
      %dma_wait3A_43 = arith.constant 0 : i32
      %dma_wait3A_44 = tpu.memref_slice %arg2[%dma_wait3A, %dma_wait3A_43] : memref<10240x128xf32, #tpu.memory_space<hbm>> -> memref<10240x128xf32, #tpu.memory_space<hbm>>
      tpu.wait_indirect_dma semaphore(%arg10 : memref<!tpu.dma_semaphore, #tpu.memory_space<semaphore_mem>>) src(%dma_wait3A_44 : memref<10240x128xf32, #tpu.memory_space<hbm>>) dst(%arg9 : memref<80x128xf32, #tpu.memory_space<vmem>>)
      "tpu.region"() ({
        %run_scoped3A = tpu.sem_alloc : memref<!tpu.dma_semaphore, #tpu.memory_space<semaphore_mem>>
        %dma_start3A_46 = arith.constant 0 : i32
        %dma_start3A_47 = arith.constant 0 : i32
        %dma_start3A_48 = tpu.memref_slice %arg6[%dma_start3A_46, %dma_start3A_47] : memref<10240x128xf32, #tpu.memory_space<vmem_shared>> -> memref<10240x128xf32, #tpu.memory_space<vmem_shared>>
        tpu.enqueue_indirect_dma source(%arg9 : memref<80x128xf32, #tpu.memory_space<vmem>>) target(%dma_start3A_48 : memref<10240x128xf32, #tpu.memory_space<vmem_shared>>) offsets(%arg8 : memref<80xi32, #tpu.memory_space<vmem>>) semaphore(%run_scoped3A : memref<!tpu.dma_semaphore, #tpu.memory_space<semaphore_mem>>) {add = true}
        %dma_wait3A_49 = arith.constant 0 : i32
        %dma_wait3A_50 = arith.constant 0 : i32
        %dma_wait3A_51 = tpu.memref_slice %arg6[%dma_wait3A_49, %dma_wait3A_50] : memref<10240x128xf32, #tpu.memory_space<vmem_shared>> -> memref<10240x128xf32, #tpu.memory_space<vmem_shared>>
        tpu.wait_indirect_dma semaphore(%run_scoped3A : memref<!tpu.dma_semaphore, #tpu.memory_space<semaphore_mem>>) src(%arg9 : memref<80x128xf32, #tpu.memory_space<vmem>>) dst(%dma_wait3A_51 : memref<10240x128xf32, #tpu.memory_space<vmem_shared>>)
        tpu.yield
      }) : () -> ()
      %scan3A_45 = arith.constant 0 : i32
      scf.yield %scan3A_45 : i32
    }
    %scan3A_34 = arith.constant 125 : i32
    %barrier3A_35 = arith.constant 0 : index
    tpu.barrier barrier_id(%barrier3A_35)
    "tpu.region"() ({
      %run_scoped3A = tpu.sem_alloc : memref<!tpu.dma_semaphore, #tpu.memory_space<semaphore_mem>>
      %dma_start3A = arith.constant 0 : i32
      %dma_start3A_36 = tpu.memref_slice %arg5[%arg0, %mul3A_0, %dma_start3A] : memref<2x10240x128xf32, #tpu.memory_space<hbm>> -> memref<1x640x128xf32, #tpu.memory_space<hbm>>
      %dma_start3A_37 = tpu.memref_squeeze %dma_start3A_36 : memref<1x640x128xf32, #tpu.memory_space<hbm>> -> memref<640x128xf32, #tpu.memory_space<hbm>>
      %dma_start3A_38 = arith.constant 0 : i32
      %dma_start3A_39 = tpu.memref_slice %arg6[%mul3A_0, %dma_start3A_38] : memref<10240x128xf32, #tpu.memory_space<vmem_shared>> -> memref<640x128xf32, #tpu.memory_space<vmem_shared>>
      tpu.enqueue_dma source(%dma_start3A_39 : memref<640x128xf32, #tpu.memory_space<vmem_shared>>) target(%dma_start3A_37 : memref<640x128xf32, #tpu.memory_space<hbm>>) target_semaphore(%run_scoped3A : memref<!tpu.dma_semaphore, #tpu.memory_space<semaphore_mem>>)
      %dma_wait3A = arith.constant 0 : i32
      %dma_wait3A_40 = tpu.memref_slice %arg5[%arg0, %mul3A_0, %dma_wait3A] : memref<2x10240x128xf32, #tpu.memory_space<hbm>> -> memref<1x640x128xf32, #tpu.memory_space<hbm>>
      %dma_wait3A_41 = tpu.memref_squeeze %dma_wait3A_40 : memref<1x640x128xf32, #tpu.memory_space<hbm>> -> memref<640x128xf32, #tpu.memory_space<hbm>>
      %dma_wait3A_42 = arith.constant 0 : i32
      %dma_wait3A_43 = tpu.memref_slice %arg6[%mul3A_0, %dma_wait3A_42] : memref<10240x128xf32, #tpu.memory_space<vmem_shared>> -> memref<640x128xf32, #tpu.memory_space<vmem_shared>>
      tpu.wait_dma2 semaphore(%run_scoped3A : memref<!tpu.dma_semaphore, #tpu.memory_space<semaphore_mem>>) src(%dma_wait3A_43 : memref<640x128xf32, #tpu.memory_space<vmem_shared>>) dst(%dma_wait3A_41 : memref<640x128xf32, #tpu.memory_space<hbm>>)
      tpu.yield
    }) : () -> ()
    return
  }
}

#map = affine_map<(d0, d1) -> (0, 0)>
#map1 = affine_map<(d0, d1) -> (0)>
#map2 = affine_map<(d0, d1) -> (0, 0, 0)>
module attributes {stable_mosaic.version = 14 : i64} {
  func.func @body(%arg0: i32, %arg1: i32, %arg2: memref<10240x128xf32, #tpu.memory_space<hbm>>, %arg3: memref<320000xi32, #tpu.memory_space<hbm>>, %arg4: memref<320000xi32, #tpu.memory_space<hbm>>, %arg5: memref<2x10240x128xf32, #tpu.memory_space<hbm>>, %arg6: memref<10240x128xf32, #tpu.memory_space<vmem_shared>>, %arg7: memref<80xi32, #tpu.memory_space<vmem>>, %arg8: memref<80xi32, #tpu.memory_space<vmem>>, %arg9: memref<80x128xf32, #tpu.memory_space<vmem>>, %arg10: memref<!tpu.dma_semaphore, #tpu.memory_space<semaphore_mem>>) attributes {dimension_semantics = [#tpu.dimension_semantics<core_parallel>, #tpu.dimension_semantics<subcore_parallel>], iteration_bounds = array<i64: 2, 16>, scalar_prefetch = 0 : i64, scratch_operands = 5 : i64, tpu.core_type = #tpu.core_type<sc_vector_subcore>, window_params = [{transform_indices = #map}, {transform_indices = #map1}, {transform_indices = #map1}, {transform_indices = #map2}]} {
    %mul3A = arith.constant 640 : i32
    %mul3A_0 = arith.muli %arg1, %mul3A : i32
    %broadcast_in_dim3A = arith.constant 0.000000e+00 : f32
    %broadcast_in_dim3A_1 = vector.broadcast %broadcast_in_dim3A : f32 to vector<16xf32>
    %scan3A = arith.constant 0 : i32
    %scan3A_2 = arith.constant 0 : i32
    %scan3A_3 = arith.constant 80 : i32
    %scan3A_4 = arith.addi %scan3A_2, %scan3A_3 : i32
    %scan3A_5 = arith.constant 1 : i32
    %scan3A_6 = scf.for %scan3A_36 = %scan3A_2 to %scan3A_4 step %scan3A_5 iter_args(%scan3A_37 = %scan3A) -> (i32)  : i32 {
      %swap3A = arith.index_cast %scan3A_36 : i32 to index
      %swap3A_38 = arith.constant 0 : index
      %swap3A_39 = tpu.vector_load %arg9[%swap3A, %swap3A_38] {strides = array<i32>} : memref<80x128xf32, #tpu.memory_space<vmem>>, vector<1x16xf32>,
      %swap3A_40 = vector.shape_cast %swap3A_39 : vector<1x16xf32> to vector<16xf32>
      %swap3A_41 = vector.shape_cast %broadcast_in_dim3A_1 : vector<16xf32> to vector<1x16xf32>
      tpu.vector_store %arg9[%swap3A, %swap3A_38], %swap3A_41 {strides = array<i32>} : memref<80x128xf32, #tpu.memory_space<vmem>>, vector<1x16xf32>,
      %swap3A_42 = arith.index_cast %scan3A_36 : i32 to index
      %swap3A_43 = arith.constant 16 : index
      %swap3A_44 = tpu.vector_load %arg9[%swap3A_42, %swap3A_43] {strides = array<i32>} : memref<80x128xf32, #tpu.memory_space<vmem>>, vector<1x16xf32>,
      %swap3A_45 = vector.shape_cast %swap3A_44 : vector<1x16xf32> to vector<16xf32>
      %swap3A_46 = vector.shape_cast %broadcast_in_dim3A_1 : vector<16xf32> to vector<1x16xf32>
      tpu.vector_store %arg9[%swap3A_42, %swap3A_43], %swap3A_46 {strides = array<i32>} : memref<80x128xf32, #tpu.memory_space<vmem>>, vector<1x16xf32>,
      %swap3A_47 = arith.index_cast %scan3A_36 : i32 to index
      %swap3A_48 = arith.constant 32 : index
      %swap3A_49 = tpu.vector_load %arg9[%swap3A_47, %swap3A_48] {strides = array<i32>} : memref<80x128xf32, #tpu.memory_space<vmem>>, vector<1x16xf32>,
      %swap3A_50 = vector.shape_cast %swap3A_49 : vector<1x16xf32> to vector<16xf32>
      %swap3A_51 = vector.shape_cast %broadcast_in_dim3A_1 : vector<16xf32> to vector<1x16xf32>
      tpu.vector_store %arg9[%swap3A_47, %swap3A_48], %swap3A_51 {strides = array<i32>} : memref<80x128xf32, #tpu.memory_space<vmem>>, vector<1x16xf32>,
      %swap3A_52 = arith.index_cast %scan3A_36 : i32 to index
      %swap3A_53 = arith.constant 48 : index
      %swap3A_54 = tpu.vector_load %arg9[%swap3A_52, %swap3A_53] {strides = array<i32>} : memref<80x128xf32, #tpu.memory_space<vmem>>, vector<1x16xf32>,
      %swap3A_55 = vector.shape_cast %swap3A_54 : vector<1x16xf32> to vector<16xf32>
      %swap3A_56 = vector.shape_cast %broadcast_in_dim3A_1 : vector<16xf32> to vector<1x16xf32>
      tpu.vector_store %arg9[%swap3A_52, %swap3A_53], %swap3A_56 {strides = array<i32>} : memref<80x128xf32, #tpu.memory_space<vmem>>, vector<1x16xf32>,
      %swap3A_57 = arith.index_cast %scan3A_36 : i32 to index
      %swap3A_58 = arith.constant 64 : index
      %swap3A_59 = tpu.vector_load %arg9[%swap3A_57, %swap3A_58] {strides = array<i32>} : memref<80x128xf32, #tpu.memory_space<vmem>>, vector<1x16xf32>,
      %swap3A_60 = vector.shape_cast %swap3A_59 : vector<1x16xf32> to vector<16xf32>
      %swap3A_61 = vector.shape_cast %broadcast_in_dim3A_1 : vector<16xf32> to vector<1x16xf32>
      tpu.vector_store %arg9[%swap3A_57, %swap3A_58], %swap3A_61 {strides = array<i32>} : memref<80x128xf32, #tpu.memory_space<vmem>>, vector<1x16xf32>,
      %swap3A_62 = arith.index_cast %scan3A_36 : i32 to index
      %swap3A_63 = arith.constant 80 : index
      %swap3A_64 = tpu.vector_load %arg9[%swap3A_62, %swap3A_63] {strides = array<i32>} : memref<80x128xf32, #tpu.memory_space<vmem>>, vector<1x16xf32>,
      %swap3A_65 = vector.shape_cast %swap3A_64 : vector<1x16xf32> to vector<16xf32>
      %swap3A_66 = vector.shape_cast %broadcast_in_dim3A_1 : vector<16xf32> to vector<1x16xf32>
      tpu.vector_store %arg9[%swap3A_62, %swap3A_63], %swap3A_66 {strides = array<i32>} : memref<80x128xf32, #tpu.memory_space<vmem>>, vector<1x16xf32>,
      %swap3A_67 = arith.index_cast %scan3A_36 : i32 to index
      %swap3A_68 = arith.constant 96 : index
      %swap3A_69 = tpu.vector_load %arg9[%swap3A_67, %swap3A_68] {strides = array<i32>} : memref<80x128xf32, #tpu.memory_space<vmem>>, vector<1x16xf32>,
      %swap3A_70 = vector.shape_cast %swap3A_69 : vector<1x16xf32> to vector<16xf32>
      %swap3A_71 = vector.shape_cast %broadcast_in_dim3A_1 : vector<16xf32> to vector<1x16xf32>
      tpu.vector_store %arg9[%swap3A_67, %swap3A_68], %swap3A_71 {strides = array<i32>} : memref<80x128xf32, #tpu.memory_space<vmem>>, vector<1x16xf32>,
      %swap3A_72 = arith.index_cast %scan3A_36 : i32 to index
      %swap3A_73 = arith.constant 112 : index
      %swap3A_74 = tpu.vector_load %arg9[%swap3A_72, %swap3A_73] {strides = array<i32>} : memref<80x128xf32, #tpu.memory_space<vmem>>, vector<1x16xf32>,
      %swap3A_75 = vector.shape_cast %swap3A_74 : vector<1x16xf32> to vector<16xf32>
      %swap3A_76 = vector.shape_cast %broadcast_in_dim3A_1 : vector<16xf32> to vector<1x16xf32>
      tpu.vector_store %arg9[%swap3A_72, %swap3A_73], %swap3A_76 {strides = array<i32>} : memref<80x128xf32, #tpu.memory_space<vmem>>, vector<1x16xf32>,
      %scan3A_77 = arith.constant 0 : i32
      scf.yield %scan3A_77 : i32
    }
    %scan3A_7 = arith.constant 80 : i32
    %add3A = arith.constant 0 : i32
    %add3A_8 = arith.addi %mul3A_0, %add3A : i32
    "tpu.region"() ({
      %run_scoped3A = tpu.sem_alloc : memref<!tpu.dma_semaphore, #tpu.memory_space<semaphore_mem>>
      %dma_start3A = arith.constant 0 : i32
      %dma_start3A_36 = arith.constant 0 : i32
      %dma_start3A_37 = tpu.memref_slice %arg9[%dma_start3A, %dma_start3A_36] : memref<80x128xf32, #tpu.memory_space<vmem>> -> memref<80x128xf32, #tpu.memory_space<vmem>>
      %dma_start3A_38 = arith.constant 0 : i32
      %dma_start3A_39 = tpu.memref_slice %arg6[%add3A_8, %dma_start3A_38] : memref<10240x128xf32, #tpu.memory_space<vmem_shared>> -> memref<80x128xf32, #tpu.memory_space<vmem_shared>>
      %dma_start3A_40 = arith.constant 0 : i32
      %dma_start3A_41 = tpu.memref_slice %arg6[%add3A_8, %dma_start3A_40] : memref<10240x128xf32, #tpu.memory_space<vmem_shared>> -> memref<80x128xf32, #tpu.memory_space<vmem_shared>>
      %dma_start3A_42 = arith.constant 0 : i32
      %dma_start3A_43 = arith.constant 0 : i32
      %dma_start3A_44 = tpu.memref_slice %arg9[%dma_start3A_42, %dma_start3A_43] : memref<80x128xf32, #tpu.memory_space<vmem>> -> memref<80x128xf32, #tpu.memory_space<vmem>>
      tpu.enqueue_dma source(%dma_start3A_44 : memref<80x128xf32, #tpu.memory_space<vmem>>) target(%dma_start3A_41 : memref<80x128xf32, #tpu.memory_space<vmem_shared>>) target_semaphore(%run_scoped3A : memref<!tpu.dma_semaphore, #tpu.memory_space<semaphore_mem>>)
      %dma_wait3A = arith.constant 0 : i32
      %dma_wait3A_45 = arith.constant 0 : i32
      %dma_wait3A_46 = tpu.memref_slice %arg9[%dma_wait3A, %dma_wait3A_45] : memref<80x128xf32, #tpu.memory_space<vmem>> -> memref<80x128xf32, #tpu.memory_space<vmem>>
      %dma_wait3A_47 = arith.constant 0 : i32
      %dma_wait3A_48 = tpu.memref_slice %arg6[%add3A_8, %dma_wait3A_47] : memref<10240x128xf32, #tpu.memory_space<vmem_shared>> -> memref<80x128xf32, #tpu.memory_space<vmem_shared>>
      %dma_wait3A_49 = arith.constant 0 : i32
      %dma_wait3A_50 = tpu.memref_slice %arg6[%add3A_8, %dma_wait3A_49] : memref<10240x128xf32, #tpu.memory_space<vmem_shared>> -> memref<80x128xf32, #tpu.memory_space<vmem_shared>>
      %dma_wait3A_51 = arith.constant 0 : i32
      %dma_wait3A_52 = arith.constant 0 : i32
      %dma_wait3A_53 = tpu.memref_slice %arg9[%dma_wait3A_51, %dma_wait3A_52] : memref<80x128xf32, #tpu.memory_space<vmem>> -> memref<80x128xf32, #tpu.memory_space<vmem>>
      tpu.wait_dma2 semaphore(%run_scoped3A : memref<!tpu.dma_semaphore, #tpu.memory_space<semaphore_mem>>) src(%dma_wait3A_53 : memref<80x128xf32, #tpu.memory_space<vmem>>) dst(%dma_wait3A_50 : memref<80x128xf32, #tpu.memory_space<vmem_shared>>)
      tpu.yield
    }) : () -> ()
    %add3A_9 = arith.constant 80 : i32
    %add3A_10 = arith.addi %mul3A_0, %add3A_9 : i32
    "tpu.region"() ({
      %run_scoped3A = tpu.sem_alloc : memref<!tpu.dma_semaphore, #tpu.memory_space<semaphore_mem>>
      %dma_start3A = arith.constant 0 : i32
      %dma_start3A_36 = arith.constant 0 : i32
      %dma_start3A_37 = tpu.memref_slice %arg9[%dma_start3A, %dma_start3A_36] : memref<80x128xf32, #tpu.memory_space<vmem>> -> memref<80x128xf32, #tpu.memory_space<vmem>>
      %dma_start3A_38 = arith.constant 0 : i32
      %dma_start3A_39 = tpu.memref_slice %arg6[%add3A_10, %dma_start3A_38] : memref<10240x128xf32, #tpu.memory_space<vmem_shared>> -> memref<80x128xf32, #tpu.memory_space<vmem_shared>>
      %dma_start3A_40 = arith.constant 0 : i32
      %dma_start3A_41 = tpu.memref_slice %arg6[%add3A_10, %dma_start3A_40] : memref<10240x128xf32, #tpu.memory_space<vmem_shared>> -> memref<80x128xf32, #tpu.memory_space<vmem_shared>>
      %dma_start3A_42 = arith.constant 0 : i32
      %dma_start3A_43 = arith.constant 0 : i32
      %dma_start3A_44 = tpu.memref_slice %arg9[%dma_start3A_42, %dma_start3A_43] : memref<80x128xf32, #tpu.memory_space<vmem>> -> memref<80x128xf32, #tpu.memory_space<vmem>>
      tpu.enqueue_dma source(%dma_start3A_44 : memref<80x128xf32, #tpu.memory_space<vmem>>) target(%dma_start3A_41 : memref<80x128xf32, #tpu.memory_space<vmem_shared>>) target_semaphore(%run_scoped3A : memref<!tpu.dma_semaphore, #tpu.memory_space<semaphore_mem>>)
      %dma_wait3A = arith.constant 0 : i32
      %dma_wait3A_45 = arith.constant 0 : i32
      %dma_wait3A_46 = tpu.memref_slice %arg9[%dma_wait3A, %dma_wait3A_45] : memref<80x128xf32, #tpu.memory_space<vmem>> -> memref<80x128xf32, #tpu.memory_space<vmem>>
      %dma_wait3A_47 = arith.constant 0 : i32
      %dma_wait3A_48 = tpu.memref_slice %arg6[%add3A_10, %dma_wait3A_47] : memref<10240x128xf32, #tpu.memory_space<vmem_shared>> -> memref<80x128xf32, #tpu.memory_space<vmem_shared>>
      %dma_wait3A_49 = arith.constant 0 : i32
      %dma_wait3A_50 = tpu.memref_slice %arg6[%add3A_10, %dma_wait3A_49] : memref<10240x128xf32, #tpu.memory_space<vmem_shared>> -> memref<80x128xf32, #tpu.memory_space<vmem_shared>>
      %dma_wait3A_51 = arith.constant 0 : i32
      %dma_wait3A_52 = arith.constant 0 : i32
      %dma_wait3A_53 = tpu.memref_slice %arg9[%dma_wait3A_51, %dma_wait3A_52] : memref<80x128xf32, #tpu.memory_space<vmem>> -> memref<80x128xf32, #tpu.memory_space<vmem>>
      tpu.wait_dma2 semaphore(%run_scoped3A : memref<!tpu.dma_semaphore, #tpu.memory_space<semaphore_mem>>) src(%dma_wait3A_53 : memref<80x128xf32, #tpu.memory_space<vmem>>) dst(%dma_wait3A_50 : memref<80x128xf32, #tpu.memory_space<vmem_shared>>)
      tpu.yield
    }) : () -> ()
    %add3A_11 = arith.constant 160 : i32
    %add3A_12 = arith.addi %mul3A_0, %add3A_11 : i32
    "tpu.region"() ({
      %run_scoped3A = tpu.sem_alloc : memref<!tpu.dma_semaphore, #tpu.memory_space<semaphore_mem>>
      %dma_start3A = arith.constant 0 : i32
      %dma_start3A_36 = arith.constant 0 : i32
      %dma_start3A_37 = tpu.memref_slice %arg9[%dma_start3A, %dma_start3A_36] : memref<80x128xf32, #tpu.memory_space<vmem>> -> memref<80x128xf32, #tpu.memory_space<vmem>>
      %dma_start3A_38 = arith.constant 0 : i32
      %dma_start3A_39 = tpu.memref_slice %arg6[%add3A_12, %dma_start3A_38] : memref<10240x128xf32, #tpu.memory_space<vmem_shared>> -> memref<80x128xf32, #tpu.memory_space<vmem_shared>>
      %dma_start3A_40 = arith.constant 0 : i32
      %dma_start3A_41 = tpu.memref_slice %arg6[%add3A_12, %dma_start3A_40] : memref<10240x128xf32, #tpu.memory_space<vmem_shared>> -> memref<80x128xf32, #tpu.memory_space<vmem_shared>>
      %dma_start3A_42 = arith.constant 0 : i32
      %dma_start3A_43 = arith.constant 0 : i32
      %dma_start3A_44 = tpu.memref_slice %arg9[%dma_start3A_42, %dma_start3A_43] : memref<80x128xf32, #tpu.memory_space<vmem>> -> memref<80x128xf32, #tpu.memory_space<vmem>>
      tpu.enqueue_dma source(%dma_start3A_44 : memref<80x128xf32, #tpu.memory_space<vmem>>) target(%dma_start3A_41 : memref<80x128xf32, #tpu.memory_space<vmem_shared>>) target_semaphore(%run_scoped3A : memref<!tpu.dma_semaphore, #tpu.memory_space<semaphore_mem>>)
      %dma_wait3A = arith.constant 0 : i32
      %dma_wait3A_45 = arith.constant 0 : i32
      %dma_wait3A_46 = tpu.memref_slice %arg9[%dma_wait3A, %dma_wait3A_45] : memref<80x128xf32, #tpu.memory_space<vmem>> -> memref<80x128xf32, #tpu.memory_space<vmem>>
      %dma_wait3A_47 = arith.constant 0 : i32
      %dma_wait3A_48 = tpu.memref_slice %arg6[%add3A_12, %dma_wait3A_47] : memref<10240x128xf32, #tpu.memory_space<vmem_shared>> -> memref<80x128xf32, #tpu.memory_space<vmem_shared>>
      %dma_wait3A_49 = arith.constant 0 : i32
      %dma_wait3A_50 = tpu.memref_slice %arg6[%add3A_12, %dma_wait3A_49] : memref<10240x128xf32, #tpu.memory_space<vmem_shared>> -> memref<80x128xf32, #tpu.memory_space<vmem_shared>>
      %dma_wait3A_51 = arith.constant 0 : i32
      %dma_wait3A_52 = arith.constant 0 : i32
      %dma_wait3A_53 = tpu.memref_slice %arg9[%dma_wait3A_51, %dma_wait3A_52] : memref<80x128xf32, #tpu.memory_space<vmem>> -> memref<80x128xf32, #tpu.memory_space<vmem>>
      tpu.wait_dma2 semaphore(%run_scoped3A : memref<!tpu.dma_semaphore, #tpu.memory_space<semaphore_mem>>) src(%dma_wait3A_53 : memref<80x128xf32, #tpu.memory_space<vmem>>) dst(%dma_wait3A_50 : memref<80x128xf32, #tpu.memory_space<vmem_shared>>)
      tpu.yield
    }) : () -> ()
    %add3A_13 = arith.constant 240 : i32
    %add3A_14 = arith.addi %mul3A_0, %add3A_13 : i32
    "tpu.region"() ({
      %run_scoped3A = tpu.sem_alloc : memref<!tpu.dma_semaphore, #tpu.memory_space<semaphore_mem>>
      %dma_start3A = arith.constant 0 : i32
      %dma_start3A_36 = arith.constant 0 : i32
      %dma_start3A_37 = tpu.memref_slice %arg9[%dma_start3A, %dma_start3A_36] : memref<80x128xf32, #tpu.memory_space<vmem>> -> memref<80x128xf32, #tpu.memory_space<vmem>>
      %dma_start3A_38 = arith.constant 0 : i32
      %dma_start3A_39 = tpu.memref_slice %arg6[%add3A_14, %dma_start3A_38] : memref<10240x128xf32, #tpu.memory_space<vmem_shared>> -> memref<80x128xf32, #tpu.memory_space<vmem_shared>>
      %dma_start3A_40 = arith.constant 0 : i32
      %dma_start3A_41 = tpu.memref_slice %arg6[%add3A_14, %dma_start3A_40] : memref<10240x128xf32, #tpu.memory_space<vmem_shared>> -> memref<80x128xf32, #tpu.memory_space<vmem_shared>>
      %dma_start3A_42 = arith.constant 0 : i32
      %dma_start3A_43 = arith.constant 0 : i32
      %dma_start3A_44 = tpu.memref_slice %arg9[%dma_start3A_42, %dma_start3A_43] : memref<80x128xf32, #tpu.memory_space<vmem>> -> memref<80x128xf32, #tpu.memory_space<vmem>>
      tpu.enqueue_dma source(%dma_start3A_44 : memref<80x128xf32, #tpu.memory_space<vmem>>) target(%dma_start3A_41 : memref<80x128xf32, #tpu.memory_space<vmem_shared>>) target_semaphore(%run_scoped3A : memref<!tpu.dma_semaphore, #tpu.memory_space<semaphore_mem>>)
      %dma_wait3A = arith.constant 0 : i32
      %dma_wait3A_45 = arith.constant 0 : i32
      %dma_wait3A_46 = tpu.memref_slice %arg9[%dma_wait3A, %dma_wait3A_45] : memref<80x128xf32, #tpu.memory_space<vmem>> -> memref<80x128xf32, #tpu.memory_space<vmem>>
      %dma_wait3A_47 = arith.constant 0 : i32
      %dma_wait3A_48 = tpu.memref_slice %arg6[%add3A_14, %dma_wait3A_47] : memref<10240x128xf32, #tpu.memory_space<vmem_shared>> -> memref<80x128xf32, #tpu.memory_space<vmem_shared>>
      %dma_wait3A_49 = arith.constant 0 : i32
      %dma_wait3A_50 = tpu.memref_slice %arg6[%add3A_14, %dma_wait3A_49] : memref<10240x128xf32, #tpu.memory_space<vmem_shared>> -> memref<80x128xf32, #tpu.memory_space<vmem_shared>>
      %dma_wait3A_51 = arith.constant 0 : i32
      %dma_wait3A_52 = arith.constant 0 : i32
      %dma_wait3A_53 = tpu.memref_slice %arg9[%dma_wait3A_51, %dma_wait3A_52] : memref<80x128xf32, #tpu.memory_space<vmem>> -> memref<80x128xf32, #tpu.memory_space<vmem>>
      tpu.wait_dma2 semaphore(%run_scoped3A : memref<!tpu.dma_semaphore, #tpu.memory_space<semaphore_mem>>) src(%dma_wait3A_53 : memref<80x128xf32, #tpu.memory_space<vmem>>) dst(%dma_wait3A_50 : memref<80x128xf32, #tpu.memory_space<vmem_shared>>)
      tpu.yield
    }) : () -> ()
    %add3A_15 = arith.constant 320 : i32
    %add3A_16 = arith.addi %mul3A_0, %add3A_15 : i32
    "tpu.region"() ({
      %run_scoped3A = tpu.sem_alloc : memref<!tpu.dma_semaphore, #tpu.memory_space<semaphore_mem>>
      %dma_start3A = arith.constant 0 : i32
      %dma_start3A_36 = arith.constant 0 : i32
      %dma_start3A_37 = tpu.memref_slice %arg9[%dma_start3A, %dma_start3A_36] : memref<80x128xf32, #tpu.memory_space<vmem>> -> memref<80x128xf32, #tpu.memory_space<vmem>>
      %dma_start3A_38 = arith.constant 0 : i32
      %dma_start3A_39 = tpu.memref_slice %arg6[%add3A_16, %dma_start3A_38] : memref<10240x128xf32, #tpu.memory_space<vmem_shared>> -> memref<80x128xf32, #tpu.memory_space<vmem_shared>>
      %dma_start3A_40 = arith.constant 0 : i32
      %dma_start3A_41 = tpu.memref_slice %arg6[%add3A_16, %dma_start3A_40] : memref<10240x128xf32, #tpu.memory_space<vmem_shared>> -> memref<80x128xf32, #tpu.memory_space<vmem_shared>>
      %dma_start3A_42 = arith.constant 0 : i32
      %dma_start3A_43 = arith.constant 0 : i32
      %dma_start3A_44 = tpu.memref_slice %arg9[%dma_start3A_42, %dma_start3A_43] : memref<80x128xf32, #tpu.memory_space<vmem>> -> memref<80x128xf32, #tpu.memory_space<vmem>>
      tpu.enqueue_dma source(%dma_start3A_44 : memref<80x128xf32, #tpu.memory_space<vmem>>) target(%dma_start3A_41 : memref<80x128xf32, #tpu.memory_space<vmem_shared>>) target_semaphore(%run_scoped3A : memref<!tpu.dma_semaphore, #tpu.memory_space<semaphore_mem>>)
      %dma_wait3A = arith.constant 0 : i32
      %dma_wait3A_45 = arith.constant 0 : i32
      %dma_wait3A_46 = tpu.memref_slice %arg9[%dma_wait3A, %dma_wait3A_45] : memref<80x128xf32, #tpu.memory_space<vmem>> -> memref<80x128xf32, #tpu.memory_space<vmem>>
      %dma_wait3A_47 = arith.constant 0 : i32
      %dma_wait3A_48 = tpu.memref_slice %arg6[%add3A_16, %dma_wait3A_47] : memref<10240x128xf32, #tpu.memory_space<vmem_shared>> -> memref<80x128xf32, #tpu.memory_space<vmem_shared>>
      %dma_wait3A_49 = arith.constant 0 : i32
      %dma_wait3A_50 = tpu.memref_slice %arg6[%add3A_16, %dma_wait3A_49] : memref<10240x128xf32, #tpu.memory_space<vmem_shared>> -> memref<80x128xf32, #tpu.memory_space<vmem_shared>>
      %dma_wait3A_51 = arith.constant 0 : i32
      %dma_wait3A_52 = arith.constant 0 : i32
      %dma_wait3A_53 = tpu.memref_slice %arg9[%dma_wait3A_51, %dma_wait3A_52] : memref<80x128xf32, #tpu.memory_space<vmem>> -> memref<80x128xf32, #tpu.memory_space<vmem>>
      tpu.wait_dma2 semaphore(%run_scoped3A : memref<!tpu.dma_semaphore, #tpu.memory_space<semaphore_mem>>) src(%dma_wait3A_53 : memref<80x128xf32, #tpu.memory_space<vmem>>) dst(%dma_wait3A_50 : memref<80x128xf32, #tpu.memory_space<vmem_shared>>)
      tpu.yield
    }) : () -> ()
    %add3A_17 = arith.constant 400 : i32
    %add3A_18 = arith.addi %mul3A_0, %add3A_17 : i32
    "tpu.region"() ({
      %run_scoped3A = tpu.sem_alloc : memref<!tpu.dma_semaphore, #tpu.memory_space<semaphore_mem>>
      %dma_start3A = arith.constant 0 : i32
      %dma_start3A_36 = arith.constant 0 : i32
      %dma_start3A_37 = tpu.memref_slice %arg9[%dma_start3A, %dma_start3A_36] : memref<80x128xf32, #tpu.memory_space<vmem>> -> memref<80x128xf32, #tpu.memory_space<vmem>>
      %dma_start3A_38 = arith.constant 0 : i32
      %dma_start3A_39 = tpu.memref_slice %arg6[%add3A_18, %dma_start3A_38] : memref<10240x128xf32, #tpu.memory_space<vmem_shared>> -> memref<80x128xf32, #tpu.memory_space<vmem_shared>>
      %dma_start3A_40 = arith.constant 0 : i32
      %dma_start3A_41 = tpu.memref_slice %arg6[%add3A_18, %dma_start3A_40] : memref<10240x128xf32, #tpu.memory_space<vmem_shared>> -> memref<80x128xf32, #tpu.memory_space<vmem_shared>>
      %dma_start3A_42 = arith.constant 0 : i32
      %dma_start3A_43 = arith.constant 0 : i32
      %dma_start3A_44 = tpu.memref_slice %arg9[%dma_start3A_42, %dma_start3A_43] : memref<80x128xf32, #tpu.memory_space<vmem>> -> memref<80x128xf32, #tpu.memory_space<vmem>>
      tpu.enqueue_dma source(%dma_start3A_44 : memref<80x128xf32, #tpu.memory_space<vmem>>) target(%dma_start3A_41 : memref<80x128xf32, #tpu.memory_space<vmem_shared>>) target_semaphore(%run_scoped3A : memref<!tpu.dma_semaphore, #tpu.memory_space<semaphore_mem>>)
      %dma_wait3A = arith.constant 0 : i32
      %dma_wait3A_45 = arith.constant 0 : i32
      %dma_wait3A_46 = tpu.memref_slice %arg9[%dma_wait3A, %dma_wait3A_45] : memref<80x128xf32, #tpu.memory_space<vmem>> -> memref<80x128xf32, #tpu.memory_space<vmem>>
      %dma_wait3A_47 = arith.constant 0 : i32
      %dma_wait3A_48 = tpu.memref_slice %arg6[%add3A_18, %dma_wait3A_47] : memref<10240x128xf32, #tpu.memory_space<vmem_shared>> -> memref<80x128xf32, #tpu.memory_space<vmem_shared>>
      %dma_wait3A_49 = arith.constant 0 : i32
      %dma_wait3A_50 = tpu.memref_slice %arg6[%add3A_18, %dma_wait3A_49] : memref<10240x128xf32, #tpu.memory_space<vmem_shared>> -> memref<80x128xf32, #tpu.memory_space<vmem_shared>>
      %dma_wait3A_51 = arith.constant 0 : i32
      %dma_wait3A_52 = arith.constant 0 : i32
      %dma_wait3A_53 = tpu.memref_slice %arg9[%dma_wait3A_51, %dma_wait3A_52] : memref<80x128xf32, #tpu.memory_space<vmem>> -> memref<80x128xf32, #tpu.memory_space<vmem>>
      tpu.wait_dma2 semaphore(%run_scoped3A : memref<!tpu.dma_semaphore, #tpu.memory_space<semaphore_mem>>) src(%dma_wait3A_53 : memref<80x128xf32, #tpu.memory_space<vmem>>) dst(%dma_wait3A_50 : memref<80x128xf32, #tpu.memory_space<vmem_shared>>)
      tpu.yield
    }) : () -> ()
    %add3A_19 = arith.constant 480 : i32
    %add3A_20 = arith.addi %mul3A_0, %add3A_19 : i32
    "tpu.region"() ({
      %run_scoped3A = tpu.sem_alloc : memref<!tpu.dma_semaphore, #tpu.memory_space<semaphore_mem>>
      %dma_start3A = arith.constant 0 : i32
      %dma_start3A_36 = arith.constant 0 : i32
      %dma_start3A_37 = tpu.memref_slice %arg9[%dma_start3A, %dma_start3A_36] : memref<80x128xf32, #tpu.memory_space<vmem>> -> memref<80x128xf32, #tpu.memory_space<vmem>>
      %dma_start3A_38 = arith.constant 0 : i32
      %dma_start3A_39 = tpu.memref_slice %arg6[%add3A_20, %dma_start3A_38] : memref<10240x128xf32, #tpu.memory_space<vmem_shared>> -> memref<80x128xf32, #tpu.memory_space<vmem_shared>>
      %dma_start3A_40 = arith.constant 0 : i32
      %dma_start3A_41 = tpu.memref_slice %arg6[%add3A_20, %dma_start3A_40] : memref<10240x128xf32, #tpu.memory_space<vmem_shared>> -> memref<80x128xf32, #tpu.memory_space<vmem_shared>>
      %dma_start3A_42 = arith.constant 0 : i32
      %dma_start3A_43 = arith.constant 0 : i32
      %dma_start3A_44 = tpu.memref_slice %arg9[%dma_start3A_42, %dma_start3A_43] : memref<80x128xf32, #tpu.memory_space<vmem>> -> memref<80x128xf32, #tpu.memory_space<vmem>>
      tpu.enqueue_dma source(%dma_start3A_44 : memref<80x128xf32, #tpu.memory_space<vmem>>) target(%dma_start3A_41 : memref<80x128xf32, #tpu.memory_space<vmem_shared>>) target_semaphore(%run_scoped3A : memref<!tpu.dma_semaphore, #tpu.memory_space<semaphore_mem>>)
      %dma_wait3A = arith.constant 0 : i32
      %dma_wait3A_45 = arith.constant 0 : i32
      %dma_wait3A_46 = tpu.memref_slice %arg9[%dma_wait3A, %dma_wait3A_45] : memref<80x128xf32, #tpu.memory_space<vmem>> -> memref<80x128xf32, #tpu.memory_space<vmem>>
      %dma_wait3A_47 = arith.constant 0 : i32
      %dma_wait3A_48 = tpu.memref_slice %arg6[%add3A_20, %dma_wait3A_47] : memref<10240x128xf32, #tpu.memory_space<vmem_shared>> -> memref<80x128xf32, #tpu.memory_space<vmem_shared>>
      %dma_wait3A_49 = arith.constant 0 : i32
      %dma_wait3A_50 = tpu.memref_slice %arg6[%add3A_20, %dma_wait3A_49] : memref<10240x128xf32, #tpu.memory_space<vmem_shared>> -> memref<80x128xf32, #tpu.memory_space<vmem_shared>>
      %dma_wait3A_51 = arith.constant 0 : i32
      %dma_wait3A_52 = arith.constant 0 : i32
      %dma_wait3A_53 = tpu.memref_slice %arg9[%dma_wait3A_51, %dma_wait3A_52] : memref<80x128xf32, #tpu.memory_space<vmem>> -> memref<80x128xf32, #tpu.memory_space<vmem>>
      tpu.wait_dma2 semaphore(%run_scoped3A : memref<!tpu.dma_semaphore, #tpu.memory_space<semaphore_mem>>) src(%dma_wait3A_53 : memref<80x128xf32, #tpu.memory_space<vmem>>) dst(%dma_wait3A_50 : memref<80x128xf32, #tpu.memory_space<vmem_shared>>)
      tpu.yield
    }) : () -> ()
    %add3A_21 = arith.constant 560 : i32
    %add3A_22 = arith.addi %mul3A_0, %add3A_21 : i32
    "tpu.region"() ({
      %run_scoped3A = tpu.sem_alloc : memref<!tpu.dma_semaphore, #tpu.memory_space<semaphore_mem>>
      %dma_start3A = arith.constant 0 : i32
      %dma_start3A_36 = arith.constant 0 : i32
      %dma_start3A_37 = tpu.memref_slice %arg9[%dma_start3A, %dma_start3A_36] : memref<80x128xf32, #tpu.memory_space<vmem>> -> memref<80x128xf32, #tpu.memory_space<vmem>>
      %dma_start3A_38 = arith.constant 0 : i32
      %dma_start3A_39 = tpu.memref_slice %arg6[%add3A_22, %dma_start3A_38] : memref<10240x128xf32, #tpu.memory_space<vmem_shared>> -> memref<80x128xf32, #tpu.memory_space<vmem_shared>>
      %dma_start3A_40 = arith.constant 0 : i32
      %dma_start3A_41 = tpu.memref_slice %arg6[%add3A_22, %dma_start3A_40] : memref<10240x128xf32, #tpu.memory_space<vmem_shared>> -> memref<80x128xf32, #tpu.memory_space<vmem_shared>>
      %dma_start3A_42 = arith.constant 0 : i32
      %dma_start3A_43 = arith.constant 0 : i32
      %dma_start3A_44 = tpu.memref_slice %arg9[%dma_start3A_42, %dma_start3A_43] : memref<80x128xf32, #tpu.memory_space<vmem>> -> memref<80x128xf32, #tpu.memory_space<vmem>>
      tpu.enqueue_dma source(%dma_start3A_44 : memref<80x128xf32, #tpu.memory_space<vmem>>) target(%dma_start3A_41 : memref<80x128xf32, #tpu.memory_space<vmem_shared>>) target_semaphore(%run_scoped3A : memref<!tpu.dma_semaphore, #tpu.memory_space<semaphore_mem>>)
      %dma_wait3A = arith.constant 0 : i32
      %dma_wait3A_45 = arith.constant 0 : i32
      %dma_wait3A_46 = tpu.memref_slice %arg9[%dma_wait3A, %dma_wait3A_45] : memref<80x128xf32, #tpu.memory_space<vmem>> -> memref<80x128xf32, #tpu.memory_space<vmem>>
      %dma_wait3A_47 = arith.constant 0 : i32
      %dma_wait3A_48 = tpu.memref_slice %arg6[%add3A_22, %dma_wait3A_47] : memref<10240x128xf32, #tpu.memory_space<vmem_shared>> -> memref<80x128xf32, #tpu.memory_space<vmem_shared>>
      %dma_wait3A_49 = arith.constant 0 : i32
      %dma_wait3A_50 = tpu.memref_slice %arg6[%add3A_22, %dma_wait3A_49] : memref<10240x128xf32, #tpu.memory_space<vmem_shared>> -> memref<80x128xf32, #tpu.memory_space<vmem_shared>>
      %dma_wait3A_51 = arith.constant 0 : i32
      %dma_wait3A_52 = arith.constant 0 : i32
      %dma_wait3A_53 = tpu.memref_slice %arg9[%dma_wait3A_51, %dma_wait3A_52] : memref<80x128xf32, #tpu.memory_space<vmem>> -> memref<80x128xf32, #tpu.memory_space<vmem>>
      tpu.wait_dma2 semaphore(%run_scoped3A : memref<!tpu.dma_semaphore, #tpu.memory_space<semaphore_mem>>) src(%dma_wait3A_53 : memref<80x128xf32, #tpu.memory_space<vmem>>) dst(%dma_wait3A_50 : memref<80x128xf32, #tpu.memory_space<vmem_shared>>)
      tpu.yield
    }) : () -> ()
    %barrier3A = arith.constant 0 : index
    tpu.barrier barrier_id(%barrier3A)
    %mul3A_23 = arith.constant 160000 : i32
    %mul3A_24 = arith.muli %arg0, %mul3A_23 : i32
    %mul3A_25 = arith.constant 10000 : i32
    %mul3A_26 = arith.muli %arg1, %mul3A_25 : i32
    %add3A_27 = arith.addi %mul3A_24, %mul3A_26 : i32
    %scan3A_28 = arith.constant 0 : i32
    %scan3A_29 = arith.constant 0 : i32
    %scan3A_30 = arith.constant 125 : i32
    %scan3A_31 = arith.addi %scan3A_29, %scan3A_30 : i32
    %scan3A_32 = arith.constant 1 : i32
    %scan3A_33 = scf.for %scan3A_36 = %scan3A_29 to %scan3A_31 step %scan3A_32 iter_args(%scan3A_37 = %scan3A_28) -> (i32)  : i32 {
      %mul3A_38 = arith.constant 80 : i32
      %mul3A_39 = arith.muli %scan3A_36, %mul3A_38 : i32
      %add3A_40 = arith.addi %add3A_27, %mul3A_39 : i32
      "tpu.region"() ({
        %run_scoped3A = tpu.sem_alloc : memref<!tpu.dma_semaphore, #tpu.memory_space<semaphore_mem>>
        %dma_start3A_46 = tpu.memref_slice %arg3[%add3A_40] : memref<320000xi32, #tpu.memory_space<hbm>> -> memref<80xi32, #tpu.memory_space<hbm>>
        %dma_start3A_47 = tpu.memref_slice %arg3[%add3A_40] : memref<320000xi32, #tpu.memory_space<hbm>> -> memref<80xi32, #tpu.memory_space<hbm>>
        tpu.enqueue_dma source(%dma_start3A_47 : memref<80xi32, #tpu.memory_space<hbm>>) target(%arg7 : memref<80xi32, #tpu.memory_space<vmem>>) target_semaphore(%run_scoped3A : memref<!tpu.dma_semaphore, #tpu.memory_space<semaphore_mem>>)
        %dma_wait3A_48 = tpu.memref_slice %arg3[%add3A_40] : memref<320000xi32, #tpu.memory_space<hbm>> -> memref<80xi32, #tpu.memory_space<hbm>>
        %dma_wait3A_49 = tpu.memref_slice %arg3[%add3A_40] : memref<320000xi32, #tpu.memory_space<hbm>> -> memref<80xi32, #tpu.memory_space<hbm>>
        tpu.wait_dma2 semaphore(%run_scoped3A : memref<!tpu.dma_semaphore, #tpu.memory_space<semaphore_mem>>) src(%dma_wait3A_49 : memref<80xi32, #tpu.memory_space<hbm>>) dst(%arg7 : memref<80xi32, #tpu.memory_space<vmem>>)
        tpu.yield
      }) : () -> ()
      "tpu.region"() ({
        %run_scoped3A = tpu.sem_alloc : memref<!tpu.dma_semaphore, #tpu.memory_space<semaphore_mem>>
        %dma_start3A_46 = tpu.memref_slice %arg4[%add3A_40] : memref<320000xi32, #tpu.memory_space<hbm>> -> memref<80xi32, #tpu.memory_space<hbm>>
        %dma_start3A_47 = tpu.memref_slice %arg4[%add3A_40] : memref<320000xi32, #tpu.memory_space<hbm>> -> memref<80xi32, #tpu.memory_space<hbm>>
        tpu.enqueue_dma source(%dma_start3A_47 : memref<80xi32, #tpu.memory_space<hbm>>) target(%arg8 : memref<80xi32, #tpu.memory_space<vmem>>) target_semaphore(%run_scoped3A : memref<!tpu.dma_semaphore, #tpu.memory_space<semaphore_mem>>)
        %dma_wait3A_48 = tpu.memref_slice %arg4[%add3A_40] : memref<320000xi32, #tpu.memory_space<hbm>> -> memref<80xi32, #tpu.memory_space<hbm>>
        %dma_wait3A_49 = tpu.memref_slice %arg4[%add3A_40] : memref<320000xi32, #tpu.memory_space<hbm>> -> memref<80xi32, #tpu.memory_space<hbm>>
        tpu.wait_dma2 semaphore(%run_scoped3A : memref<!tpu.dma_semaphore, #tpu.memory_space<semaphore_mem>>) src(%dma_wait3A_49 : memref<80xi32, #tpu.memory_space<hbm>>) dst(%arg8 : memref<80xi32, #tpu.memory_space<vmem>>)
        tpu.yield
      }) : () -> ()
      %dma_start3A = arith.constant 0 : i32
      %dma_start3A_41 = arith.constant 0 : i32
      %dma_start3A_42 = tpu.memref_slice %arg2[%dma_start3A, %dma_start3A_41] : memref<10240x128xf32, #tpu.memory_space<hbm>> -> memref<10240x128xf32, #tpu.memory_space<hbm>>
      tpu.enqueue_indirect_dma source(%dma_start3A_42 : memref<10240x128xf32, #tpu.memory_space<hbm>>) target(%arg9 : memref<80x128xf32, #tpu.memory_space<vmem>>) offsets(%arg7 : memref<80xi32, #tpu.memory_space<vmem>>) semaphore(%arg10 : memref<!tpu.dma_semaphore, #tpu.memory_space<semaphore_mem>>)
      %dma_wait3A = arith.constant 0 : i32
      %dma_wait3A_43 = arith.constant 0 : i32
      %dma_wait3A_44 = tpu.memref_slice %arg2[%dma_wait3A, %dma_wait3A_43] : memref<10240x128xf32, #tpu.memory_space<hbm>> -> memref<10240x128xf32, #tpu.memory_space<hbm>>
      tpu.wait_indirect_dma semaphore(%arg10 : memref<!tpu.dma_semaphore, #tpu.memory_space<semaphore_mem>>) src(%dma_wait3A_44 : memref<10240x128xf32, #tpu.memory_space<hbm>>) dst(%arg9 : memref<80x128xf32, #tpu.memory_space<vmem>>)
      "tpu.region"() ({
        %run_scoped3A = tpu.sem_alloc : memref<!tpu.dma_semaphore, #tpu.memory_space<semaphore_mem>>
        %dma_start3A_46 = arith.constant 0 : i32
        %dma_start3A_47 = arith.constant 0 : i32
        %dma_start3A_48 = tpu.memref_slice %arg6[%dma_start3A_46, %dma_start3A_47] : memref<10240x128xf32, #tpu.memory_space<vmem_shared>> -> memref<10240x128xf32, #tpu.memory_space<vmem_shared>>
        tpu.enqueue_indirect_dma source(%arg9 : memref<80x128xf32, #tpu.memory_space<vmem>>) target(%dma_start3A_48 : memref<10240x128xf32, #tpu.memory_space<vmem_shared>>) offsets(%arg8 : memref<80xi32, #tpu.memory_space<vmem>>) semaphore(%run_scoped3A : memref<!tpu.dma_semaphore, #tpu.memory_space<semaphore_mem>>) {add = true}
        %dma_wait3A_49 = arith.constant 0 : i32
        %dma_wait3A_50 = arith.constant 0 : i32
        %dma_wait3A_51 = tpu.memref_slice %arg6[%dma_wait3A_49, %dma_wait3A_50] : memref<10240x128xf32, #tpu.memory_space<vmem_shared>> -> memref<10240x128xf32, #tpu.memory_space<vmem_shared>>
        tpu.wait_indirect_dma semaphore(%run_scoped3A : memref<!tpu.dma_semaphore, #tpu.memory_space<semaphore_mem>>) src(%arg9 : memref<80x128xf32, #tpu.memory_space<vmem>>) dst(%dma_wait3A_51 : memref<10240x128xf32, #tpu.memory_space<vmem_shared>>)
        tpu.yield
      }) : () -> ()
      %scan3A_45 = arith.constant 0 : i32
      scf.yield %scan3A_45 : i32
    }
    %scan3A_34 = arith.constant 125 : i32
    %barrier3A_35 = arith.constant 0 : index
    tpu.barrier barrier_id(%barrier3A_35)
    "tpu.region"() ({
      %run_scoped3A = tpu.sem_alloc : memref<!tpu.dma_semaphore, #tpu.memory_space<semaphore_mem>>
      %dma_start3A = arith.constant 0 : i32
      %dma_start3A_36 = tpu.memref_slice %arg5[%arg0, %mul3A_0, %dma_start3A] : memref<2x10240x128xf32, #tpu.memory_space<hbm>> -> memref<1x640x128xf32, #tpu.memory_space<hbm>>
      %dma_start3A_37 = tpu.memref_squeeze %dma_start3A_36 : memref<1x640x128xf32, #tpu.memory_space<hbm>> -> memref<640x128xf32, #tpu.memory_space<hbm>>
      %dma_start3A_38 = arith.constant 0 : i32
      %dma_start3A_39 = tpu.memref_slice %arg6[%mul3A_0, %dma_start3A_38] : memref<10240x128xf32, #tpu.memory_space<vmem_shared>> -> memref<640x128xf32, #tpu.memory_space<vmem_shared>>
      tpu.enqueue_dma source(%dma_start3A_39 : memref<640x128xf32, #tpu.memory_space<vmem_shared>>) target(%dma_start3A_37 : memref<640x128xf32, #tpu.memory_space<hbm>>) target_semaphore(%run_scoped3A : memref<!tpu.dma_semaphore, #tpu.memory_space<semaphore_mem>>)
      %dma_wait3A = arith.constant 0 : i32
      %dma_wait3A_40 = tpu.memref_slice %arg5[%arg0, %mul3A_0, %dma_wait3A] : memref<2x10240x128xf32, #tpu.memory_space<hbm>> -> memref<1x640x128xf32, #tpu.memory_space<hbm>>
      %dma_wait3A_41 = tpu.memref_squeeze %dma_wait3A_40 : memref<1x640x128xf32, #tpu.memory_space<hbm>> -> memref<640x128xf32, #tpu.memory_space<hbm>>
      %dma_wait3A_42 = arith.constant 0 : i32
      %dma_wait3A_43 = tpu.memref_slice %arg6[%mul3A_0, %dma_wait3A_42] : memref<10240x128xf32, #tpu.memory_space<vmem_shared>> -> memref<640x128xf32, #tpu.memory_space<vmem_shared>>
      tpu.wait_dma2 semaphore(%run_scoped3A : memref<!tpu.dma_semaphore, #tpu.memory_space<semaphore_mem>>) src(%dma_wait3A_43 : memref<640x128xf32, #tpu.memory_space<vmem_shared>>) dst(%dma_wait3A_41 : memref<640x128xf32, #tpu.memory_space<hbm>>)
      tpu.yield
    }) : () -> ()
    return
  }
}

module attributes {stable_mosaic.version = 14 : i64} {
  func.func @body(%arg0: i32, %arg1: memref<1024x128xf32, #tpu.memory_space<vmem>>, %arg2: memref<1024x128xf32, #tpu.memory_space<vmem>>, %arg3: memref<1024x16xf32, #tpu.memory_space<vmem>>, %arg4: memref<1024x16xf32, #tpu.memory_space<vmem>>, %arg5: memref<1024x128xf32, #tpu.memory_space<vmem>>, %arg6: memref<128x128xf32, #tpu.memory_space<vmem>>, %arg7: memref<128x128xf32, #tpu.memory_space<vmem>>, %arg8: memref<1x128xf32, #tpu.memory_space<vmem>>, %arg9: memref<1024x128xf32, #tpu.memory_space<vmem>>) attributes {dimension_semantics = [#tpu.dimension_semantics<arbitrary>], iteration_bounds = array<i64: 10>, scalar_prefetch = 0 : i64, scratch_operands = 0 : i64, tpu.core_type = #tpu.core_type<tc>, window_params = [{transform_indices = @transform_0, window_bounds = array<i64: 1024, 128>}, {transform_indices = @transform_1, window_bounds = array<i64: 1024, 128>}, {transform_indices = @transform_2, window_bounds = array<i64: 1024, 16>}, {transform_indices = @transform_3, window_bounds = array<i64: 1024, 16>}, {transform_indices = @transform_4, window_bounds = array<i64: 1024, 128>}, {pipeline_mode = #tpu.pipeline_mode<synchronous>, transform_indices = @transform_5, window_bounds = array<i64: 128, 128>}, {pipeline_mode = #tpu.pipeline_mode<synchronous>, transform_indices = @transform_6, window_bounds = array<i64: 128, 128>}, {pipeline_mode = #tpu.pipeline_mode<synchronous>, transform_indices = @transform_7, window_bounds = array<i64: 1, 128>}, {transform_indices = @transform_8, window_bounds = array<i64: 1024, 128>}]} {
    %get3A = arith.constant 0 : index
    %get3A_0 = arith.constant 0 : index
    %get3A_1 = vector.load %arg3[%get3A, %get3A_0] : memref<1024x16xf32, #tpu.memory_space<vmem>>, vector<1024x1xf32>
    %get3A_2 = arith.constant 0 : index
    %get3A_3 = arith.constant 0 : index
    %get3A_4 = vector.load %arg4[%get3A_2, %get3A_3] : memref<1024x16xf32, #tpu.memory_space<vmem>>, vector<1024x1xf32>
    %add3A = arith.addf %get3A_1, %get3A_4 : vector<1024x1xf32>
    %max3A = arith.constant 1.000000e+00 : f32
    %max3A_5 = vector.broadcast %max3A : f32 to vector<1024x1xf32>
    %max3A_6 = arith.maximumf %add3A, %max3A_5 : vector<1024x1xf32>
    %div3A = arith.constant 1.000000e+00 : f32
    %div3A_7 = vector.broadcast %div3A : f32 to vector<1024x1xf32>
    %div3A_8 = arith.divf %div3A_7, %max3A_6 : vector<1024x1xf32>
    %get3A_9 = arith.constant 0 : index
    %get3A_10 = arith.constant 0 : index
    %get3A_11 = vector.load %arg1[%get3A_9, %get3A_10] : memref<1024x128xf32, #tpu.memory_space<vmem>>, vector<1024x128xf32>
    %get3A_12 = arith.constant 0 : index
    %get3A_13 = arith.constant 0 : index
    %get3A_14 = vector.load %arg2[%get3A_12, %get3A_13] : memref<1024x128xf32, #tpu.memory_space<vmem>>, vector<1024x128xf32>
    %add3A_15 = arith.addf %get3A_11, %get3A_14 : vector<1024x128xf32>
    %mul3A = vector.broadcast %div3A_8 : vector<1024x1xf32> to vector<1024x128xf32>
    %mul3A_16 = arith.mulf %add3A_15, %mul3A : vector<1024x128xf32>
    %get3A_17 = arith.constant 0 : index
    %get3A_18 = arith.constant 0 : index
    %get3A_19 = vector.load %arg6[%get3A_17, %get3A_18] : memref<128x128xf32, #tpu.memory_space<vmem>>, vector<128x128xf32>
    %dot_general3A = arith.constant dense<0.000000e+00> : vector<1024x128xf32>
    %dot_general3A_20 = tpu.matmul %mul3A_16, %get3A_19, %dot_general3A {dimension_numbers = #tpu.dot_dimension_numbers<[1], [0], [0], [1], [0, 0, 1, 1], [], []>, transpose_lhs_hint = false} : vector<1024x128xf32>, vector<128x128xf32>, vector<1024x128xf32> -> vector<1024x128xf32>
    %get3A_21 = arith.constant 0 : index
    %get3A_22 = arith.constant 0 : index
    %get3A_23 = vector.load %arg5[%get3A_21, %get3A_22] : memref<1024x128xf32, #tpu.memory_space<vmem>>, vector<1024x128xf32>
    %get3A_24 = arith.constant 0 : index
    %get3A_25 = arith.constant 0 : index
    %get3A_26 = vector.load %arg7[%get3A_24, %get3A_25] : memref<128x128xf32, #tpu.memory_space<vmem>>, vector<128x128xf32>
    %dot_general3A_27 = arith.constant dense<0.000000e+00> : vector<1024x128xf32>
    %dot_general3A_28 = tpu.matmul %get3A_23, %get3A_26, %dot_general3A_27 {dimension_numbers = #tpu.dot_dimension_numbers<[1], [0], [0], [1], [0, 0, 1, 1], [], []>, transpose_lhs_hint = false} : vector<1024x128xf32>, vector<128x128xf32>, vector<1024x128xf32> -> vector<1024x128xf32>
    %add3A_29 = arith.addf %dot_general3A_20, %dot_general3A_28 : vector<1024x128xf32>
    %get3A_30 = arith.constant 0 : index
    %get3A_31 = arith.constant 0 : index
    %get3A_32 = vector.load %arg8[%get3A_30, %get3A_31] : memref<1x128xf32, #tpu.memory_space<vmem>>, vector<1x128xf32>
    %add3A_33 = vector.broadcast %get3A_32 : vector<1x128xf32> to vector<1024x128xf32>
    %add3A_34 = arith.addf %add3A_29, %add3A_33 : vector<1024x128xf32>
    %max3A_35 = arith.constant 0.000000e+00 : f32
    %max3A_36 = vector.broadcast %max3A_35 : f32 to vector<1024x128xf32>
    %max3A_37 = arith.maximumf %add3A_34, %max3A_36 : vector<1024x128xf32>
    %swap3A = arith.constant 0 : index
    %swap3A_38 = arith.constant 0 : index
    %swap3A_39 = vector.load %arg9[%swap3A, %swap3A_38] : memref<1024x128xf32, #tpu.memory_space<vmem>>, vector<1024x128xf32>
    tpu.vector_store %arg9[%swap3A, %swap3A_38], %max3A_37 {strides = array<i32>} : memref<1024x128xf32, #tpu.memory_space<vmem>>, vector<1024x128xf32>,
    return
  }
  func.func @transform_0(%arg0: i32) -> (i32, i32) {
    %c0_i32 = arith.constant 0 : i32
    %c0_i32_0 = arith.constant 0 : i32
    return %arg0, %c0_i32 : i32, i32
  }
  func.func @transform_1(%arg0: i32) -> (i32, i32) {
    %c0_i32 = arith.constant 0 : i32
    %c0_i32_0 = arith.constant 0 : i32
    return %arg0, %c0_i32 : i32, i32
  }
  func.func @transform_2(%arg0: i32) -> (i32, i32) {
    %c0_i32 = arith.constant 0 : i32
    %c0_i32_0 = arith.constant 0 : i32
    return %arg0, %c0_i32 : i32, i32
  }
  func.func @transform_3(%arg0: i32) -> (i32, i32) {
    %c0_i32 = arith.constant 0 : i32
    %c0_i32_0 = arith.constant 0 : i32
    return %arg0, %c0_i32 : i32, i32
  }
  func.func @transform_4(%arg0: i32) -> (i32, i32) {
    %c0_i32 = arith.constant 0 : i32
    %c0_i32_0 = arith.constant 0 : i32
    return %arg0, %c0_i32 : i32, i32
  }
  func.func @transform_5(%arg0: i32) -> (i32, i32) {
    %c0_i32 = arith.constant 0 : i32
    %c0_i32_0 = arith.constant 0 : i32
    %c0_i32_1 = arith.constant 0 : i32
    return %c0_i32, %c0_i32_0 : i32, i32
  }
  func.func @transform_6(%arg0: i32) -> (i32, i32) {
    %c0_i32 = arith.constant 0 : i32
    %c0_i32_0 = arith.constant 0 : i32
    %c0_i32_1 = arith.constant 0 : i32
    return %c0_i32, %c0_i32_0 : i32, i32
  }
  func.func @transform_7(%arg0: i32) -> (i32, i32) {
    %c0_i32 = arith.constant 0 : i32
    %c0_i32_0 = arith.constant 0 : i32
    %c0_i32_1 = arith.constant 0 : i32
    return %c0_i32, %c0_i32_0 : i32, i32
  }
  func.func @transform_8(%arg0: i32) -> (i32, i32) {
    %c0_i32 = arith.constant 0 : i32
    %c0_i32_0 = arith.constant 0 : i32
    return %arg0, %c0_i32 : i32, i32
  }
}

module attributes {stable_mosaic.version = 14 : i64} {
  func.func @body(%arg0: i32, %arg1: memref<1024x128xf32, #tpu.memory_space<vmem>>, %arg2: memref<1024x128xf32, #tpu.memory_space<vmem>>, %arg3: memref<1024x16xf32, #tpu.memory_space<vmem>>, %arg4: memref<1024x16xf32, #tpu.memory_space<vmem>>, %arg5: memref<1024x128xf32, #tpu.memory_space<vmem>>, %arg6: memref<128x128xf32, #tpu.memory_space<vmem>>, %arg7: memref<128x128xf32, #tpu.memory_space<vmem>>, %arg8: memref<1x128xf32, #tpu.memory_space<vmem>>, %arg9: memref<128x128xf32, #tpu.memory_space<vmem>>, %arg10: memref<1x128xf32, #tpu.memory_space<vmem>>, %arg11: memref<1024x128xf32, #tpu.memory_space<vmem>>) attributes {dimension_semantics = [#tpu.dimension_semantics<arbitrary>], iteration_bounds = array<i64: 10>, scalar_prefetch = 0 : i64, scratch_operands = 0 : i64, tpu.core_type = #tpu.core_type<tc>, window_params = [{transform_indices = @transform_0, window_bounds = array<i64: 1024, 128>}, {transform_indices = @transform_1, window_bounds = array<i64: 1024, 128>}, {transform_indices = @transform_2, window_bounds = array<i64: 1024, 16>}, {transform_indices = @transform_3, window_bounds = array<i64: 1024, 16>}, {transform_indices = @transform_4, window_bounds = array<i64: 1024, 128>}, {pipeline_mode = #tpu.pipeline_mode<synchronous>, transform_indices = @transform_5, window_bounds = array<i64: 128, 128>}, {pipeline_mode = #tpu.pipeline_mode<synchronous>, transform_indices = @transform_6, window_bounds = array<i64: 128, 128>}, {pipeline_mode = #tpu.pipeline_mode<synchronous>, transform_indices = @transform_7, window_bounds = array<i64: 1, 128>}, {pipeline_mode = #tpu.pipeline_mode<synchronous>, transform_indices = @transform_8, window_bounds = array<i64: 128, 128>}, {pipeline_mode = #tpu.pipeline_mode<synchronous>, transform_indices = @transform_9, window_bounds = array<i64: 1, 128>}, {transform_indices = @transform_10, window_bounds = array<i64: 1024, 128>}]} {
    %get3A = arith.constant 0 : index
    %get3A_0 = arith.constant 0 : index
    %get3A_1 = vector.load %arg3[%get3A, %get3A_0] : memref<1024x16xf32, #tpu.memory_space<vmem>>, vector<1024x1xf32>
    %get3A_2 = arith.constant 0 : index
    %get3A_3 = arith.constant 0 : index
    %get3A_4 = vector.load %arg4[%get3A_2, %get3A_3] : memref<1024x16xf32, #tpu.memory_space<vmem>>, vector<1024x1xf32>
    %add3A = arith.addf %get3A_1, %get3A_4 : vector<1024x1xf32>
    %max3A = arith.constant 1.000000e+00 : f32
    %max3A_5 = vector.broadcast %max3A : f32 to vector<1024x1xf32>
    %max3A_6 = arith.maximumf %add3A, %max3A_5 : vector<1024x1xf32>
    %div3A = arith.constant 1.000000e+00 : f32
    %div3A_7 = vector.broadcast %div3A : f32 to vector<1024x1xf32>
    %div3A_8 = arith.divf %div3A_7, %max3A_6 : vector<1024x1xf32>
    %get3A_9 = arith.constant 0 : index
    %get3A_10 = arith.constant 0 : index
    %get3A_11 = vector.load %arg1[%get3A_9, %get3A_10] : memref<1024x128xf32, #tpu.memory_space<vmem>>, vector<1024x128xf32>
    %get3A_12 = arith.constant 0 : index
    %get3A_13 = arith.constant 0 : index
    %get3A_14 = vector.load %arg2[%get3A_12, %get3A_13] : memref<1024x128xf32, #tpu.memory_space<vmem>>, vector<1024x128xf32>
    %add3A_15 = arith.addf %get3A_11, %get3A_14 : vector<1024x128xf32>
    %mul3A = vector.broadcast %div3A_8 : vector<1024x1xf32> to vector<1024x128xf32>
    %mul3A_16 = arith.mulf %add3A_15, %mul3A : vector<1024x128xf32>
    %get3A_17 = arith.constant 0 : index
    %get3A_18 = arith.constant 0 : index
    %get3A_19 = vector.load %arg6[%get3A_17, %get3A_18] : memref<128x128xf32, #tpu.memory_space<vmem>>, vector<128x128xf32>
    %dot_general3A = arith.constant dense<0.000000e+00> : vector<1024x128xf32>
    %dot_general3A_20 = tpu.matmul %mul3A_16, %get3A_19, %dot_general3A {dimension_numbers = #tpu.dot_dimension_numbers<[1], [0], [0], [1], [0, 0, 1, 1], [], []>, transpose_lhs_hint = false} : vector<1024x128xf32>, vector<128x128xf32>, vector<1024x128xf32> -> vector<1024x128xf32>
    %get3A_21 = arith.constant 0 : index
    %get3A_22 = arith.constant 0 : index
    %get3A_23 = vector.load %arg5[%get3A_21, %get3A_22] : memref<1024x128xf32, #tpu.memory_space<vmem>>, vector<1024x128xf32>
    %get3A_24 = arith.constant 0 : index
    %get3A_25 = arith.constant 0 : index
    %get3A_26 = vector.load %arg7[%get3A_24, %get3A_25] : memref<128x128xf32, #tpu.memory_space<vmem>>, vector<128x128xf32>
    %dot_general3A_27 = arith.constant dense<0.000000e+00> : vector<1024x128xf32>
    %dot_general3A_28 = tpu.matmul %get3A_23, %get3A_26, %dot_general3A_27 {dimension_numbers = #tpu.dot_dimension_numbers<[1], [0], [0], [1], [0, 0, 1, 1], [], []>, transpose_lhs_hint = false} : vector<1024x128xf32>, vector<128x128xf32>, vector<1024x128xf32> -> vector<1024x128xf32>
    %add3A_29 = arith.addf %dot_general3A_20, %dot_general3A_28 : vector<1024x128xf32>
    %get3A_30 = arith.constant 0 : index
    %get3A_31 = arith.constant 0 : index
    %get3A_32 = vector.load %arg8[%get3A_30, %get3A_31] : memref<1x128xf32, #tpu.memory_space<vmem>>, vector<1x128xf32>
    %add3A_33 = vector.broadcast %get3A_32 : vector<1x128xf32> to vector<1024x128xf32>
    %add3A_34 = arith.addf %add3A_29, %add3A_33 : vector<1024x128xf32>
    %max3A_35 = arith.constant 0.000000e+00 : f32
    %max3A_36 = vector.broadcast %max3A_35 : f32 to vector<1024x128xf32>
    %max3A_37 = arith.maximumf %add3A_34, %max3A_36 : vector<1024x128xf32>
    %get3A_38 = arith.constant 0 : index
    %get3A_39 = arith.constant 0 : index
    %get3A_40 = vector.load %arg9[%get3A_38, %get3A_39] : memref<128x128xf32, #tpu.memory_space<vmem>>, vector<128x128xf32>
    %dot_general3A_41 = arith.constant dense<0.000000e+00> : vector<1024x128xf32>
    %dot_general3A_42 = tpu.matmul %max3A_37, %get3A_40, %dot_general3A_41 {dimension_numbers = #tpu.dot_dimension_numbers<[1], [0], [0], [1], [0, 0, 1, 1], [], []>, transpose_lhs_hint = false} : vector<1024x128xf32>, vector<128x128xf32>, vector<1024x128xf32> -> vector<1024x128xf32>
    %get3A_43 = arith.constant 0 : index
    %get3A_44 = arith.constant 0 : index
    %get3A_45 = vector.load %arg10[%get3A_43, %get3A_44] : memref<1x128xf32, #tpu.memory_space<vmem>>, vector<1x128xf32>
    %add3A_46 = vector.broadcast %get3A_45 : vector<1x128xf32> to vector<1024x128xf32>
    %add3A_47 = arith.addf %dot_general3A_42, %add3A_46 : vector<1024x128xf32>
    %swap3A = arith.constant 0 : index
    %swap3A_48 = arith.constant 0 : index
    %swap3A_49 = vector.load %arg11[%swap3A, %swap3A_48] : memref<1024x128xf32, #tpu.memory_space<vmem>>, vector<1024x128xf32>
    tpu.vector_store %arg11[%swap3A, %swap3A_48], %add3A_47 {strides = array<i32>} : memref<1024x128xf32, #tpu.memory_space<vmem>>, vector<1024x128xf32>,
    return
  }
  func.func @transform_0(%arg0: i32) -> (i32, i32) {
    %c0_i32 = arith.constant 0 : i32
    %c0_i32_0 = arith.constant 0 : i32
    return %arg0, %c0_i32 : i32, i32
  }
  func.func @transform_1(%arg0: i32) -> (i32, i32) {
    %c0_i32 = arith.constant 0 : i32
    %c0_i32_0 = arith.constant 0 : i32
    return %arg0, %c0_i32 : i32, i32
  }
  func.func @transform_2(%arg0: i32) -> (i32, i32) {
    %c0_i32 = arith.constant 0 : i32
    %c0_i32_0 = arith.constant 0 : i32
    return %arg0, %c0_i32 : i32, i32
  }
  func.func @transform_3(%arg0: i32) -> (i32, i32) {
    %c0_i32 = arith.constant 0 : i32
    %c0_i32_0 = arith.constant 0 : i32
    return %arg0, %c0_i32 : i32, i32
  }
  func.func @transform_4(%arg0: i32) -> (i32, i32) {
    %c0_i32 = arith.constant 0 : i32
    %c0_i32_0 = arith.constant 0 : i32
    return %arg0, %c0_i32 : i32, i32
  }
  func.func @transform_5(%arg0: i32) -> (i32, i32) {
    %c0_i32 = arith.constant 0 : i32
    %c0_i32_0 = arith.constant 0 : i32
    %c0_i32_1 = arith.constant 0 : i32
    return %c0_i32, %c0_i32_0 : i32, i32
  }
  func.func @transform_6(%arg0: i32) -> (i32, i32) {
    %c0_i32 = arith.constant 0 : i32
    %c0_i32_0 = arith.constant 0 : i32
    %c0_i32_1 = arith.constant 0 : i32
    return %c0_i32, %c0_i32_0 : i32, i32
  }
  func.func @transform_7(%arg0: i32) -> (i32, i32) {
    %c0_i32 = arith.constant 0 : i32
    %c0_i32_0 = arith.constant 0 : i32
    %c0_i32_1 = arith.constant 0 : i32
    return %c0_i32, %c0_i32_0 : i32, i32
  }
  func.func @transform_8(%arg0: i32) -> (i32, i32) {
    %c0_i32 = arith.constant 0 : i32
    %c0_i32_0 = arith.constant 0 : i32
    %c0_i32_1 = arith.constant 0 : i32
    return %c0_i32, %c0_i32_0 : i32, i32
  }
  func.func @transform_9(%arg0: i32) -> (i32, i32) {
    %c0_i32 = arith.constant 0 : i32
    %c0_i32_0 = arith.constant 0 : i32
    %c0_i32_1 = arith.constant 0 : i32
    return %c0_i32, %c0_i32_0 : i32, i32
  }
  func.func @transform_10(%arg0: i32) -> (i32, i32) {
    %c0_i32 = arith.constant 0 : i32
    %c0_i32_0 = arith.constant 0 : i32
    return %arg0, %c0_i32 : i32, i32
  }
}

</mosaic_0001>

<sc_bundles>
// kernel: kernel.10.cloned.1.call-start
scs
__scs_entry_jumppad:
0x0: {  	(pc) =	sbr.rel $0x88, $3  }
0x1: {  	(tag) =	ssettag $0x0;
	lr =	simm.s32 $0x1  }
0x2: {  	[smem:$0x3F97] =	sst lr;
	_ =	strace $0xD0000000  }
0x3: {  	_ = 	snop  }
0x4: {  	_ = 	snop  }
0x5: {  	_ = 	snop  }
0x6: {  	_ = 	snop  }
0x7: {  	_ = 	snop  }
__scs_overlays_trampoline_lowered:
0x8: {  	[smem:$0x3FA6] =	sst s0  }
0x9: {  	[smem:$0x3FA7] =	sst s1  }
0xa: {  	[smem:$0x3FA8] =	sst s2  }
0xb: {  	[smem:$0x3FA9] =	sst s3  }
0xc: {  	[smem:$0x3FAA] =	sst s4  }
0xd: {  	[smem:$0x3FAB] =	sst s5  }
0xe: {  	[smem:$0x3FAC] =	sst s6  }
0xf: {  	[smem:$0x3FAD] =	sst s7  }
0x10: {  	[smem:$0x3FAE] =	sst s8  }
0x11: {  	[smem:$0x3FAF] =	sst s9;
	s0 =	simm.s32 @!p0 $0x0  }
0x12: {  	s1 =	sld [smem:$0x3F95];
	s0 =	simm.s32 @p0 $0x1  }
0x13: {  	[smem:$0x3FB0] =	sst s0;
	s0 =	simm.s32 @!p1 $0x0  }
0x14: {  	s2 =	sld [smem:$0x3F94];
	s0 =	simm.s32 @p1 $0x1  }
0x15: {  	[smem:$0x3FB1] =	sst s0;
	s0 =	simm.s32 @!p2 $0x0  }
0x16: {  	s3 =	sld [smem:$0x3FDB];
	s0 =	simm.s32 @p2 $0x1  }
0x17: {  	s4 =	simm.s32 $0x1BF5;
	[smem:$0x3FB3] =	sst s0  }
0x18: {  	s0 =	sld [smem:$0x3F96];
	_ =	swait.ge [sflag:s4], $0x0  }
0x19: {  	s7 =	sld [smem:$0x3F97]  }
0x1a: {  	s8 =	sadd.s32 $0xFFFFE003, lr  }
0x1b: {  	s9 =	sadd.s32 $0xFFFFFEF7, lr;
	s5 =	simm.s32 $0xFFFFFFFF;
	p2 =	slt.u32 s8, $0xFFFFF086  }
0x1c: {  	p1 =	slt.u32 s9, $0xF7A;
	s5 =	simm.s32 @!p2 $0x0  }
0x1d: {  	s5 =	simm.s32 @p1 $0x1;
	p0 =	seq.s32 s7, s2  }
0x1e: {  	s7 =	smul.u32 @!p0 $0xF7A, s2;
	p2 =	seq.s32 @!p0 s5, $0x0  }
0x1f: {  	s9 =	smul.u32 $0xF7A, s1;
	s8 =	simm.s32 @!p0 $0x1BF5;
	p2 =	por !p2, p0  }
0x20: {  	[sflag:s8] =	ssyncset.s32 @!p0 $0xFFFFF086;
	s6 =	sadd.s32 @!p0 s3, s7;
	s7 =	simm.s32 @!p0 $0x108  }
0x21: {  	s3 =	sadd.s32 s3, s9;
	s6 =	sadd.s32 @!p0 $0x88, s6;
	s7 =	simm.s32 @p2 $0x1082  }
0x22: {  	[simem:s7], [sflag:s8] =	dma.local @!p0 [hbm:s6], $0xF7A  }
0x23: {  	s9 =	sor.u32 $0xD0000000, s2;
	s6 =	simm.s32 $0x108;
	_ =	swait.ge @!p0 [sflag:s8], $0x0  }
0x24: {  	s3 =	sadd.s32 $0x88, s3;
	s6 =	simm.s32 @!p1 $0x1082;
	[sflag:s4] =	ssyncset.s32 $0xFFFFF086  }
0x25: {  	[simem:s6], [sflag:s4] =	dma.local [hbm:s3], $0xF7A  }
0x26: {  	[smem:$0x3F97] =	sst s1;
	(tag) =	ssettag s2;
	_ =	strace s9  }
0x27: {  	s1 =	sld [smem:$0x3FA7]  }
0x28: {  	s2 =	sld [smem:$0x3FA8]  }
0x29: {  	s4 =	sld [smem:$0x3FAA]  }
0x2a: {  	p0 =	seq.s32 s5, $0x0;
	s5 =	sld [smem:$0x3FAB]  }
0x2b: {  	s6 =	sld [smem:$0x3FAC]  }
0x2c: {  	s7 =	sld [smem:$0x3FAD]  }
0x2d: {  	s3 =	simm.s32 $0x108;
	s8 =	sld [smem:$0x3FAE]  }
0x2e: {  	s3 =	simm.s32 @!p0 $0x1082;
	s9 =	sld [smem:$0x3FAF]  }
0x2f: {  	lr =	sadd.s32 s0, s3;
	s0 =	sld [smem:$0x3FA6]  }
0x30: {  	s3 =	sld [smem:$0x3FA9]  }
0x31: {  	[smem:$0x3FB2] =	sst s10  }
0x32: {  	s10 =	sld [smem:$0x3FB0];
	_ =	sdelay $0x3  }
0x33: {  	p0 =	seq.s32 s10, $0x1;
	s10 =	sld [smem:$0x3FB2];
	_ =	sdelay $0x3  }
0x34: {  	[smem:$0x3FB2] =	sst s10  }
0x35: {  	s10 =	sld [smem:$0x3FB1];
	_ =	sdelay $0x3  }
0x36: {  	p1 =	seq.s32 s10, $0x1;
	s10 =	sld [smem:$0x3FB2];
	_ =	sdelay $0x3  }
0x37: {  	[smem:$0x3FB2] =	sst s10  }
0x38: {  	s10 =	sld [smem:$0x3FB3]  }
0x39: {  	_ = 	snop;
	(pc) =	sbr.ind lr, $3  }
0x3a: {  	_ = 	snop  }
0x3b: {  	_ = 	snop  }
0x3c: {  	p2 =	seq.s32 s10, $0x1;
	s10 =	sld [smem:$0x3FB2]  }
0x3d: {  	_ =	shalt  }
0x3e: {  	_ =	shalt  }
0x3f: {  	_ =	shalt  }
0x40: {  	_ =	shalt  }
0x41: {  	_ =	shalt  }
0x42: {  	_ =	shalt  }
0x43: {  	_ =	shalt  }
0x44: {  	_ =	shalt  }
0x45: {  	_ =	shalt  }
0x46: {  	_ =	shalt  }
0x47: {  	_ =	shalt  }
0x48: {  	_ =	shalt  }
0x49: {  	_ =	shalt  }
0x4a: {  	_ =	shalt  }
0x4b: {  	_ =	shalt  }
0x4c: {  	_ =	shalt  }
0x4d: {  	_ =	shalt  }
0x4e: {  	_ =	shalt  }
0x4f: {  	_ =	shalt  }
0x50: {  	_ =	shalt  }
0x51: {  	_ =	shalt  }
0x52: {  	_ =	shalt  }
0x53: {  	_ =	shalt  }
0x54: {  	_ =	shalt  }
0x55: {  	_ =	shalt  }
0x56: {  	_ =	shalt  }
0x57: {  	_ =	shalt  }
0x58: {  	_ =	shalt  }
0x59: {  	_ =	shalt  }
0x5a: {  	_ =	shalt  }
0x5b: {  	_ =	shalt  }
0x5c: {  	_ =	shalt  }
0x5d: {  	_ =	shalt  }
0x5e: {  	_ =	shalt  }
0x5f: {  	_ =	shalt  }
0x60: {  	_ =	shalt  }
0x61: {  	_ =	shalt  }
0x62: {  	_ =	shalt  }
0x63: {  	_ =	shalt  }
0x64: {  	_ =	shalt  }
0x65: {  	_ =	shalt  }
0x66: {  	_ =	shalt  }
0x67: {  	_ =	shalt  }
0x68: {  	_ =	shalt  }
0x69: {  	_ =	shalt  }
0x6a: {  	_ =	shalt  }
0x6b: {  	_ =	shalt  }
0x6c: {  	_ =	shalt  }
0x6d: {  	_ =	shalt  }
0x6e: {  	_ =	shalt  }
0x6f: {  	_ =	shalt  }
0x70: {  	_ =	shalt  }
0x71: {  	_ =	shalt  }
0x72: {  	_ =	shalt  }
0x73: {  	_ =	shalt  }
0x74: {  	_ =	shalt  }
0x75: {  	_ =	shalt  }
0x76: {  	_ =	shalt  }
0x77: {  	_ =	shalt  }
0x78: {  	_ =	shalt  }
0x79: {  	_ =	shalt  }
0x7a: {  	_ =	shalt  }
0x7b: {  	_ =	shalt  }
0x7c: {  	_ =	shalt  }
0x7d: {  	_ =	shalt  }
0x7e: {  	_ =	shalt  }
0x7f: {  	_ =	shalt  }
0x80: {  	_ =	shalt  }
0x81: {  	_ =	shalt  }
0x82: {  	_ =	shalt  }
0x83: {  	_ =	shalt  }
0x84: {  	_ =	shalt  }
0x85: {  	_ =	shalt  }
0x86: {  	_ =	shalt  }
0x87: {  	_ =	shalt  }
.Lfunc_end0:
.L_simem_size_0:
called_computation.1_lowered:
.L_overlay_start_0:
0x88: {  	s2 =	sld [smem:$0x3FD9]  }
0x89: {  	s3 =	sld [smem:$0x3FFE];
	_ =	sdelay $0x1  }
0x8a: {  	s1 =	srdreg.scid  }
0x8b: {  	s0 =	sand.u32 $0x1, s1  }
0x8c: {  	s17 =	sshll.u32 s0, $0xA;
	s2 =	sadd.s32 s3, s2  }
0x8d: {  	s2 =	sadd.s32 s2, s17  }
0x8e: {  	[smem:$0x3FBE] =	sst s2  }
0x8f: {  	_ = 	snop  }
0x90: {  	(tm) =	ssettm $0x1  }
0x91: {  	s18 =	sld [smem:$0x3FFB];
	_ =	sdelay $0x3  }
0x92: {  	_ =	strace s18  }
0x93: {  	s2 =	sld [smem:$0x3FFC];
	_ =	sdelay $0x3  }
0x94: {  	_ =	strace s2  }
0x95: {  	s2 =	sld [smem:$0x3FFD];
	_ =	sdelay $0x3  }
0x96: {  	_ =	strace s2  }
0x97: {  	_ =	strace $0x8FFFFFFF  }
0x98: {  	s19 =	sld [smem:$0x3FDB];
	_ =	sdelay $0x1  }
0x99: {  	s20 =	simm.s32 $_scs_section_size  }
0x9a: {  	s4 =	simm.s32 $_size__tile_overlayer_lowered;
	s5 =	simm.s32 $_tile_overlayer_lowered  }
0x9b: {  	s6 =	simm.s32 $0x1BFF;
	s21 =	sshll.u32 s5, $0x1;
	s3 =	sadd.s32 s20, s19  }
0x9c: {  	s22 =	simm.s32 $0x0;
	s4 =	sshll.u32 s4, $0x1;
	s5 =	sadd.s32 s21, s3  }
0x9d: {  	[timem:s22], [sflag:s6] =	dma.local [hbm:s5], s4  }
0x9e: {  	_ =	swait.ge [sflag:s6], s4  }
0x9f: {  	s4 =	ssub.s32 $0x0, s4;
	[sflag:s6] =	ssyncset.done $0x0  }
0xa0: {  	[sflag:s6] =	ssyncadd.s32 s4;
	_ =	sdelay $0x1  }
0xa1: {  	s23 =	simm.s32 $0x1B8B  }
0xa2: {  	_ =	swait.ge [sflag:s23], $0x1  }
0xa3: {  	[sflag:s23] =	ssyncset.done $0x0  }
0xa4: {  	[sflag:s23] =	ssyncadd.s32 $0xFFFFFFFF  }
0xa5: {  	s4 =	sld [smem:$0x0]  }
0xa6: {  	s5 =	sand.u32 $0xFFFFFFFE, s1  }
0xa7: {  	p0 =	sne.s32 s1, s5  }
0xa8: {  	s5 =	sshll.u32 @p0 s5, $0xE  }
0xa9: {  	s5 =	sadd.s32 @p0 $0x11B8D, s5;
	s6 =	sshll.u32 @p0 s4, $0x11  }
0xaa: {  	s5 =	sor.u32 @p0 s6, s5  }
0xab: {  	[sflag:s5] =	ssyncadd.remote.s32 @p0 $0x1;
	_ =	sdelay $0x1  }
0xac: {  	s5 =	simm.s32 @p0 $0x1B8D  }
0xad: {  	_ =	swait.eq @p0 [sflag:s5], $0x1  }
0xae: {  	[sflag:s5] =	ssyncadd.s32 @p0 $0xFFFFFFFF  }
0xaf: {  	s6 =	sshll.u32 @!p0 s1, $0xE  }
0xb0: {  	s6 =	sor.u32 @!p0 $0x4000, s6;
	s5 =	simm.s32 @!p0 $0x1B8D  }
0xb1: {  	s4 =	sshll.u32 @!p0 s4, $0x11;
	s6 =	sadd.s32 @!p0 $0x11B8D, s6;
	_ =	swait.eq @!p0 [sflag:s5], $0x1  }
0xb2: {  	s4 =	sor.u32 @!p0 s4, s6;
	[sflag:s5] =	ssyncadd.s32 @!p0 $0xFFFFFFFF  }
0xb3: {  	s25 =	simm.s32 $0x1B8E;
	s24 =	sld [smem:$0x3FFE];
	[sflag:s4] =	ssyncadd.remote.s32 @!p0 $0x1  }
0xb4: {  	s26 =	simm.s32 $execute0_lowered;
	[smem:$0x3FD2] =	sst s25  }
0xb5: {  	s5 =	sshll.u32 s26, $0x1;
	_ =	strace $0x80000049;
	[dreg:$0x1] =	wrdreg $0xFFFFFFFF  }
0xb6: {  	s28 =	simm.s32 $_size_execute0_lowered;
	s3 =	sadd.s32 s3, s5;
	[dreg:$0x0] =	wrdreg $0x0  }
0xb7: {  	s5 =	sshll.u32 s28, $0x1;
	[dreg:$0x2] =	wrdreg s3  }
0xb8: {  	[dreg:$0x3] =	wrdreg s5  }
0xb9: {  	[dreg:$0x4] =	wrdreg $0xC0  }
0xba: {  	_ =	task [dreg:s22], $0x5FFFF  }
0xbb: {  	[dreg:$0x1] =	wrdreg $0xFFFFFFFF  }
0xbc: {  	[dreg:$0x0] =	wrdreg $0x60  }
0xbd: {  	[dreg:$0x2] =	wrdreg s24  }
0xbe: {  	[dreg:$0x3] =	wrdreg $0x0  }
0xbf: {  	[dreg:$0x4] =	wrdreg $0xA  }
0xc0: {  	_ =	task.clear_ibuf [dreg:s22], $0x5FFFF;
	_ =	strace $0x90000049  }
0xc1: {  	s29 =	simm.s32 $0xA;
	_ =	strace $0x8000004B  }
0xc2: {  	_ =	swait.ge [sflag:s29], $0x1  }
0xc3: {  	[sflag:s29] =	ssyncadd.s32 $0xFFFFFFFF  }
0xc4: {  	_ =	strace $0x9000004B  }
0xc5: {  	_ =	sfence  }
0xc6: {  	s30 =	sld [smem:$0x0];
	_ =	sdelay $0x2  }
0xc7: {  	s31 =	sshll.u32 s1, $0xD;
	s1 =	sshrl.u32 s1, $0x2  }
0xc8: {  	s4 =	sand.u32 $0x4000, s31;
	s1 =	sadd.s32 s1, s30  }
0xc9: {  	s0 =	sor.u32 s4, s0;
	s1 =	sshll.u32 s1, $0x11  }
0xca: {  	s0 =	sor.u32 s1, s0  }
0xcb: {  	s0 =	sadd.s32 $0x8F2B, s0  }
0xcc: {  	[sflag:s0] =	ssyncadd.remote.s32 $0x1  }
0xcd: {  	_ =	sfence.sel $0xFFFF  }
0xce: {  	[dreg:$0x0] =	wrdreg $0xFFFFFFFF;
	(pc) =	sbr.abs _section_cstart, $3  }
0xcf: {  	[dreg:$0x1] =	wrdreg $0xFFFFFFFF  }
0xd0: {  	_ =	task.clear_ibuf [dreg:s22], $0x2FFFF;
	_ =	strace $0x9FFFFFFF  }
0xd1: {  	(tm) =	ssettm $0x7FFFFFFF  }
tec
execute0_lowered:
.L_overlay_start_1:
0x0: {  	(tag) =	ssettag $0x1  }
0x1: {  	s5 =	rddreg [dreg:$0x0];
	s0 =	srdreg.scid  }
0x2: {  	s2 =	rddreg [dreg:$0x1];
	s1 =	stileid.u32;
	s3 =	simm.s32 $0x0  }
0x3: {  	s17 =	simm.s32 $0x14100;
	s18 =	simm.s32 $0x2;
	s19 =	simm.s32 $0x14000  }
0x4: {  	s20 =	simm.s32 $0x14080;
	s21 =	simm.s32 $0x50;
	s7 =	smul.u32 $0x2710, s1  }
0x5: {  	s22 =	simm.s32 $0x1;
	s6 =	sand.u32 $0x1, s0;
	s10 =	smul.u32 $0x50000, s1  }
0x6: {  	s23 =	simm.s32 $0x0;
	s0 =	rddreg [dreg:$0x2];
	s4 =	smul.u32 $0x27100, s6  }
0x7: {  	[smem:$0x7FF] =	sst s3;
	s8 =	smul.u32 $0x140000, s6;
	s6 =	ssub.s32 $0x2, s6  }
0x8: {  	s9 =	smul.u32 $0x14000, s1;
	_ =	strace $0x8000004A;
	s30 =	sshrl.u32 s6, $0x1  }
0x9: {  	s31 =	sshrl.u32 s10, $0x2;
	s7 =	sadd.s32 s7, s4;
	s4 =	sadd.s32 $0x1FA00, s5  }
0xa: {  	s29 =	sadd.s32 s9, s8;
	s14 =	ssub.s32 s6, s30;
	s7 =	sshrl.u32 s7, $0x3  }
0xb: {  	s14 =	smax.u32 s14, $0x1;
	s16 =	sadd.s32 s7, s5;
	s7 =	sshrl.u32 s29, $0x3  }
0xc: {  	s13 =	sadd.s32 s7, s5;
	s5 =	sadd.s32 s31, s2;
	s15 =	sadd.s32 $0x1E00, s16  }
0xd: {  	s16 =	sadd.s32 $0xBC00, s16;
	s6 =	sadd.s32 $0x2800, s5;
	s7 =	sadd.s32 $0x5000, s5  }
0xe: {  	s8 =	sadd.s32 $0x7800, s5;
	s9 =	sadd.s32 $0xA000, s5;
	s10 =	sadd.s32 $0xC800, s5  }
0xf: {  	v0 =	vimm.f32 $0.0e+00;
	s11 =	sadd.s32 $0xF000, s5;
	s12 =	sadd.s32 $0x11800, s5;
	s13 =	sadd.s32 $0x47A00, s13  }
.LBB2_1:
0x10: {  	s24 =	simm.s32 $0x0;
	s25 =	simm.s32 $0x200  }
.LBB2_2:
0x11: {  	p0 =	sne.s32 s25, $0x9E00;
	[tilespmem:s24+$0x14170] =	vst v0  }
0x12: {  	[tilespmem:s24+$0x14100] =	vst v0  }
0x13: {  	[tilespmem:s24+$0x14110] =	vst v0  }
.Ltmp0:
0x14: {  	[tilespmem:s24+$0x14120] =	vst v0;
	(pc) =	sbr.rel @p0 .LBB2_2-.Ltmp0, $4  }
0x15: {  	[tilespmem:s24+$0x14130] =	vst v0  }
0x16: {  	[tilespmem:s24+$0x14140] =	vst v0  }
0x17: {  	[tilespmem:s24+$0x14150] =	vst v0  }
0x18: {  	[tilespmem:s24+$0x14160] =	vst v0;
	s24 =	sshra.s32 s25, $0x2;
	s25 =	sadd.s32 $0x200, s25  }
0x19: {  	[tilespmem:s24+$0x14170] =	vst v0  }
0x1a: {  	[tilespmem:s24+$0x14100] =	vst v0  }
0x1b: {  	[tilespmem:s24+$0x14110] =	vst v0  }
0x1c: {  	[tilespmem:s24+$0x14120] =	vst v0  }
0x1d: {  	[tilespmem:s24+$0x14130] =	vst v0  }
0x1e: {  	[tilespmem:s24+$0x14140] =	vst v0  }
0x1f: {  	[tilespmem:s24+$0x14150] =	vst v0  }
0x20: {  	[tilespmem:s24+$0x14160] =	vst v0  }
0x21: {  	[spmem:s5] =	stream.linear.scatter [tilespmem:s17], [sflag:$0x2], $0x2800, $0x38;
	[tilespmem:$0x16900] =	vst v63  }
0x22: {  	_ =	swait.ge [sflag:s18], $0x2800  }
0x23: {  	[sflag:s18] =	ssyncset.done $0x0  }
0x24: {  	[sflag:s18] =	ssyncadd.s32 $0xFFFFD800  }
0x25: {  	[spmem:s6] =	stream.linear.scatter [tilespmem:s17], [sflag:$0x2], $0x2800, $0x38;
	[tilespmem:$0x16900] =	vst v63  }
0x26: {  	_ =	swait.ge [sflag:s18], $0x2800  }
0x27: {  	[sflag:s18] =	ssyncset.done $0x0  }
0x28: {  	[sflag:s18] =	ssyncadd.s32 $0xFFFFD800  }
0x29: {  	[spmem:s7] =	stream.linear.scatter [tilespmem:s17], [sflag:$0x2], $0x2800, $0x38;
	[tilespmem:$0x16900] =	vst v63  }
0x2a: {  	_ =	swait.ge [sflag:s18], $0x2800  }
0x2b: {  	[sflag:s18] =	ssyncset.done $0x0  }
0x2c: {  	[sflag:s18] =	ssyncadd.s32 $0xFFFFD800  }
0x2d: {  	[spmem:s8] =	stream.linear.scatter [tilespmem:s17], [sflag:$0x2], $0x2800, $0x38;
	[tilespmem:$0x16900] =	vst v63  }
0x2e: {  	_ =	swait.ge [sflag:s18], $0x2800  }
0x2f: {  	[sflag:s18] =	ssyncset.done $0x0  }
0x30: {  	[sflag:s18] =	ssyncadd.s32 $0xFFFFD800  }
0x31: {  	[spmem:s9] =	stream.linear.scatter [tilespmem:s17], [sflag:$0x2], $0x2800, $0x38;
	[tilespmem:$0x16900] =	vst v63  }
0x32: {  	_ =	swait.ge [sflag:s18], $0x2800  }
0x33: {  	[sflag:s18] =	ssyncset.done $0x0  }
0x34: {  	[sflag:s18] =	ssyncadd.s32 $0xFFFFD800  }
0x35: {  	[spmem:s10] =	stream.linear.scatter [tilespmem:s17], [sflag:$0x2], $0x2800, $0x38;
	[tilespmem:$0x16900] =	vst v63  }
0x36: {  	_ =	swait.ge [sflag:s18], $0x2800  }
0x37: {  	[sflag:s18] =	ssyncset.done $0x0  }
0x38: {  	[sflag:s18] =	ssyncadd.s32 $0xFFFFD800  }
0x39: {  	[spmem:s11] =	stream.linear.scatter [tilespmem:s17], [sflag:$0x2], $0x2800, $0x38;
	[tilespmem:$0x16900] =	vst v63  }
0x3a: {  	_ =	swait.ge [sflag:s18], $0x2800  }
0x3b: {  	[sflag:s18] =	ssyncset.done $0x0  }
0x3c: {  	[sflag:s18] =	ssyncadd.s32 $0xFFFFD800  }
0x3d: {  	[spmem:s12] =	stream.linear.scatter [tilespmem:s17], [sflag:$0x2], $0x2800, $0x38;
	[tilespmem:$0x16900] =	vst v63  }
0x3e: {  	_ =	swait.ge [sflag:s18], $0x2800  }
0x3f: {  	[sflag:s18] =	ssyncset.done $0x0  }
0x40: {  	[sflag:s18] =	ssyncadd.s32 $0xFFFFD800  }
0x41: {  	s30 =	sadd.s32 $0x0, s16;
	[bflag:$0x0] =	sbarrier.arrive $0xFFFF  }
0x42: {  	[tilespmem:s19], [sflag:$0x2] =	stream.linear.gather [hbm4b:s30+s3], $0x50, $0x38;
	[tilespmem:$0x16900] =	vst v63  }
0x43: {  	_ =	swait.ge [sflag:s18], $0x50  }
0x44: {  	[sflag:s18] =	ssyncset.done $0x0  }
0x45: {  	s31 =	sadd.s32 $0x0, s15;
	[sflag:s18] =	ssyncadd.s32 $0xFFFFFFB0  }
0x46: {  	[tilespmem:s20], [sflag:$0x2] =	stream.linear.gather [hbm4b:s31+s3], $0x50, $0x38;
	[tilespmem:$0x16900] =	vst v63  }
0x47: {  	_ =	swait.ge [sflag:s18], $0x50  }
0x48: {  	[sflag:s18] =	ssyncset.done $0x0  }
0x49: {  	[sflag:s18] =	ssyncadd.s32 $0xFFFFFFB0  }
0x4a: {  	[tilespmem:s17], [sflag:$0x1] =	stream.indirect.gather [hbm4b:s4+s21], $0x80, s19, s21, $0xb8;
	[tilespmem:$0x16900] =	vst v63  }
0x4b: {  	_ =	swait.ge [sflag:s22], $0x2800  }
0x4c: {  	[sflag:s22] =	ssyncset.done $0x0  }
0x4d: {  	[sflag:s22] =	ssyncadd.s32 $0xFFFFD800  }
0x4e: {  	[spmem:s2] =	stream.indirect.scatter.add.f32 [tilespmem:s17], [sflag:$0x2], $0x80, s20, s21, $0xb8;
	[tilespmem:$0x16900] =	vst v63  }
0x4f: {  	_ =	swait.ge [sflag:s18], $0x2800  }
0x50: {  	s24 =	simm.s32 $0xA;
	s25 =	simm.s32 $0x14;
	[sflag:s18] =	ssyncset.done $0x0  }
.LBB2_4:
0x51: {  	s26 =	sadd.s32 s24, s16  }
0x52: {  	[sflag:s18] =	ssyncadd.s32 $0xFFFFD800;
	s28 =	smov.u32 s25;
	s29 =	sadd.s32 $0xA, s25  }
0x53: {  	[tilespmem:s19], [sflag:$0x2] =	stream.linear.gather [hbm4b:s26+s3], $0x50, $0x38;
	[tilespmem:$0x16900] =	vst v63  }
0x54: {  	p0 =	sne.s32 s25, $0x4D8;
	_ =	swait.ge [sflag:s18], $0x50  }
0x55: {  	[sflag:s18] =	ssyncset.done $0x0  }
0x56: {  	s25 =	sadd.s32 s24, s15;
	s24 =	smov.u32 s28;
	[sflag:s18] =	ssyncadd.s32 $0xFFFFFFB0  }
0x57: {  	[tilespmem:s20], [sflag:$0x2] =	stream.linear.gather [hbm4b:s25+s3], $0x50, $0x38;
	[tilespmem:$0x16900] =	vst v63  }
0x58: {  	_ =	swait.ge [sflag:s18], $0x50  }
0x59: {  	[sflag:s18] =	ssyncset.done $0x0  }
0x5a: {  	[sflag:s18] =	ssyncadd.s32 $0xFFFFFFB0  }
0x5b: {  	[tilespmem:s17], [sflag:$0x1] =	stream.indirect.gather [hbm4b:s4+s21], $0x80, s19, s21, $0xb8;
	[tilespmem:$0x16900] =	vst v63  }
0x5c: {  	_ =	swait.ge [sflag:s22], $0x2800  }
.Ltmp1:
0x5d: {  	[sflag:s22] =	ssyncset.done $0x0;
	(pc) =	sbr.rel @p0 .LBB2_4-.Ltmp1, $4  }
0x5e: {  	[sflag:s22] =	ssyncadd.s32 $0xFFFFD800  }
0x5f: {  	[spmem:s2] =	stream.indirect.scatter.add.f32 [tilespmem:s17], [sflag:$0x2], $0x80, s20, s21, $0xb8;
	[tilespmem:$0x16900] =	vst v63  }
0x60: {  	_ =	swait.ge [sflag:s18], $0x2800  }
0x61: {  	s25 =	smov.u32 s29;
	[sflag:s18] =	ssyncset.done $0x0  }
0x62: {  	s25 =	sadd.s32 s24, s16;
	[sflag:s18] =	ssyncadd.s32 $0xFFFFD800  }
0x63: {  	[tilespmem:s19], [sflag:$0x2] =	stream.linear.gather [hbm4b:s25+s3], $0x50, $0x38;
	[tilespmem:$0x16900] =	vst v63  }
0x64: {  	_ =	swait.ge [sflag:s18], $0x50  }
0x65: {  	[sflag:s18] =	ssyncset.done $0x0  }
0x66: {  	s29 =	sadd.s32 s24, s15;
	[sflag:s18] =	ssyncadd.s32 $0xFFFFFFB0  }
0x67: {  	[tilespmem:s20], [sflag:$0x2] =	stream.linear.gather [hbm4b:s29+s3], $0x50, $0x38;
	[tilespmem:$0x16900] =	vst v63  }
0x68: {  	_ =	swait.ge [sflag:s18], $0x50  }
0x69: {  	[sflag:s18] =	ssyncset.done $0x0  }
0x6a: {  	[sflag:s18] =	ssyncadd.s32 $0xFFFFFFB0  }
0x6b: {  	[tilespmem:s17], [sflag:$0x1] =	stream.indirect.gather [hbm4b:s4+s21], $0x80, s19, s21, $0xb8;
	[tilespmem:$0x16900] =	vst v63  }
0x6c: {  	_ =	swait.ge [sflag:s22], $0x2800  }
0x6d: {  	[sflag:s22] =	ssyncset.done $0x0  }
0x6e: {  	[sflag:s22] =	ssyncadd.s32 $0xFFFFD800  }
0x6f: {  	[spmem:s2] =	stream.indirect.scatter.add.f32 [tilespmem:s17], [sflag:$0x2], $0x80, s20, s21, $0xb8;
	[tilespmem:$0x16900] =	vst v63  }
0x70: {  	_ =	swait.ge [sflag:s18], $0x2800  }
0x71: {  	s30 =	sshll.u32 s1, $0x6;
	s23 =	sadd.s32 $0x1, s23;
	[sflag:s18] =	ssyncset.done $0x0  }
0x72: {  	s31 =	sshrl.u32 s5, $0x3;
	p0 =	sne.s32 s23, s14;
	[sflag:s18] =	ssyncadd.s32 $0xFFFFD800  }
.Ltmp2:
0x73: {  	s24 =	sor.u32 $0x1C02, s30;
	[bflag:$0x0] =	sbarrier.arrive $0xFFFF;
	(pc) =	sbr.rel @p0 .LBB2_1-.Ltmp2, $4  }
0x74: {  	[hbm:s13], [sflag:s24] =	dma.local [spmem:s31], $0x2800  }
0x75: {  	_ =	swait.ge [sflag:s18], $0x2800  }
0x76: {  	[sflag:s18] =	ssyncset.done $0x0  }
0x77: {  	[sflag:s18] =	ssyncadd.s32 $0xFFFFD800  }
0x78: {  	_ =	sfence.sel $0x180000  }
0x79: {  	[bflag:$0x0] =	sbarrier.arrive $0xFFFF  }
0x7a: {  	p0 =	sne.s32 s1, $0x0;
	_ =	strace $0x9000004A  }
0x7b: {  	s0 =	sadd.s32 @!p0 $0x100000, s0;
	[bflag:$0x2] =	sbarrier.arrive $0xFFFF  }
0x7c: {  	[sflag:s0] =	ssyncadd.tile.s32 @!p0 $0x1;
	_ =	shalt  }
.Lfunc_end2:
_tile_overlayer_lowered:
.L_overlay_start_2:
0x7d: {  	(tag) =	ssettag $0x2  }
0x7e: {  	s0 =	rddreg [dreg:$0x0];
	s2 =	stileid.u32  }
0x7f: {  	s1 =	rddreg [dreg:$0x1];
	p0 =	sne.s32 s2, $0x0  }
0x80: {  	s3 =	rddreg [dreg:$0x2];
	[bflag:$0x3] =	sbarrier.arrive $0xFFFF;
	s2 =	simm.s32 @!p0 $0x1C02  }
0x81: {  	[timem:s3], [sflag:s2] =	dma.local @!p0 [hbm:s0], s1  }
0x82: {  	s0 =	simm.s32 @!p0 $0x2  }
0x83: {  	_ =	swait.ge @!p0 [sflag:s0], s1  }
0x84: {  	s1 =	ssub.s32 @!p0 $0x0, s1;
	[sflag:s0] =	ssyncset.done @!p0 $0x0  }
0x85: {  	[sflag:s0] =	ssyncadd.s32 @!p0 s1  }
0x86: {  	[bflag:$0x3] =	sbarrier.arrive $0xFFFF  }
0x87: {  	_ =	shalt  }

// kernel: kernel.13.cloned.1.call-start
scs
__scs_entry_jumppad:
0x0: {  	(pc) =	sbr.rel $0x88, $3  }
0x1: {  	(tag) =	ssettag $0x0;
	lr =	simm.s32 $0x1  }
0x2: {  	[smem:$0x3F97] =	sst lr;
	_ =	strace $0xD0000000  }
0x3: {  	_ = 	snop  }
0x4: {  	_ = 	snop  }
0x5: {  	_ = 	snop  }
0x6: {  	_ = 	snop  }
0x7: {  	_ = 	snop  }
__scs_overlays_trampoline_lowered:
0x8: {  	[smem:$0x3FA6] =	sst s0  }
0x9: {  	[smem:$0x3FA7] =	sst s1  }
0xa: {  	[smem:$0x3FA8] =	sst s2  }
0xb: {  	[smem:$0x3FA9] =	sst s3  }
0xc: {  	[smem:$0x3FAA] =	sst s4  }
0xd: {  	[smem:$0x3FAB] =	sst s5  }
0xe: {  	[smem:$0x3FAC] =	sst s6  }
0xf: {  	[smem:$0x3FAD] =	sst s7  }
0x10: {  	[smem:$0x3FAE] =	sst s8  }
0x11: {  	[smem:$0x3FAF] =	sst s9;
	s0 =	simm.s32 @!p0 $0x0  }
0x12: {  	s1 =	sld [smem:$0x3F95];
	s0 =	simm.s32 @p0 $0x1  }
0x13: {  	[smem:$0x3FB0] =	sst s0;
	s0 =	simm.s32 @!p1 $0x0  }
0x14: {  	s2 =	sld [smem:$0x3F94];
	s0 =	simm.s32 @p1 $0x1  }
0x15: {  	[smem:$0x3FB1] =	sst s0;
	s0 =	simm.s32 @!p2 $0x0  }
0x16: {  	s3 =	sld [smem:$0x3FDB];
	s0 =	simm.s32 @p2 $0x1  }
0x17: {  	s4 =	simm.s32 $0x1BF5;
	[smem:$0x3FB3] =	sst s0  }
0x18: {  	s0 =	sld [smem:$0x3F96];
	_ =	swait.ge [sflag:s4], $0x0  }
0x19: {  	s7 =	sld [smem:$0x3F97]  }
0x1a: {  	s8 =	sadd.s32 $0xFFFFE003, lr  }
0x1b: {  	s9 =	sadd.s32 $0xFFFFFEF7, lr;
	s5 =	simm.s32 $0xFFFFFFFF;
	p2 =	slt.u32 s8, $0xFFFFF086  }
0x1c: {  	p1 =	slt.u32 s9, $0xF7A;
	s5 =	simm.s32 @!p2 $0x0  }
0x1d: {  	s5 =	simm.s32 @p1 $0x1;
	p0 =	seq.s32 s7, s2  }
0x1e: {  	s7 =	smul.u32 @!p0 $0xF7A, s2;
	p2 =	seq.s32 @!p0 s5, $0x0  }
0x1f: {  	s9 =	smul.u32 $0xF7A, s1;
	s8 =	simm.s32 @!p0 $0x1BF5;
	p2 =	por !p2, p0  }
0x20: {  	[sflag:s8] =	ssyncset.s32 @!p0 $0xFFFFF086;
	s6 =	sadd.s32 @!p0 s3, s7;
	s7 =	simm.s32 @!p0 $0x108  }
0x21: {  	s3 =	sadd.s32 s3, s9;
	s6 =	sadd.s32 @!p0 $0x88, s6;
	s7 =	simm.s32 @p2 $0x1082  }
0x22: {  	[simem:s7], [sflag:s8] =	dma.local @!p0 [hbm:s6], $0xF7A  }
0x23: {  	s9 =	sor.u32 $0xD0000000, s2;
	s6 =	simm.s32 $0x108;
	_ =	swait.ge @!p0 [sflag:s8], $0x0  }
0x24: {  	s3 =	sadd.s32 $0x88, s3;
	s6 =	simm.s32 @!p1 $0x1082;
	[sflag:s4] =	ssyncset.s32 $0xFFFFF086  }
0x25: {  	[simem:s6], [sflag:s4] =	dma.local [hbm:s3], $0xF7A  }
0x26: {  	[smem:$0x3F97] =	sst s1;
	(tag) =	ssettag s2;
	_ =	strace s9  }
0x27: {  	s1 =	sld [smem:$0x3FA7]  }
0x28: {  	s2 =	sld [smem:$0x3FA8]  }
0x29: {  	s4 =	sld [smem:$0x3FAA]  }
0x2a: {  	p0 =	seq.s32 s5, $0x0;
	s5 =	sld [smem:$0x3FAB]  }
0x2b: {  	s6 =	sld [smem:$0x3FAC]  }
0x2c: {  	s7 =	sld [smem:$0x3FAD]  }
0x2d: {  	s3 =	simm.s32 $0x108;
	s8 =	sld [smem:$0x3FAE]  }
0x2e: {  	s3 =	simm.s32 @!p0 $0x1082;
	s9 =	sld [smem:$0x3FAF]  }
0x2f: {  	lr =	sadd.s32 s0, s3;
	s0 =	sld [smem:$0x3FA6]  }
0x30: {  	s3 =	sld [smem:$0x3FA9]  }
0x31: {  	[smem:$0x3FB2] =	sst s10  }
0x32: {  	s10 =	sld [smem:$0x3FB0];
	_ =	sdelay $0x3  }
0x33: {  	p0 =	seq.s32 s10, $0x1;
	s10 =	sld [smem:$0x3FB2];
	_ =	sdelay $0x3  }
0x34: {  	[smem:$0x3FB2] =	sst s10  }
0x35: {  	s10 =	sld [smem:$0x3FB1];
	_ =	sdelay $0x3  }
0x36: {  	p1 =	seq.s32 s10, $0x1;
	s10 =	sld [smem:$0x3FB2];
	_ =	sdelay $0x3  }
0x37: {  	[smem:$0x3FB2] =	sst s10  }
0x38: {  	s10 =	sld [smem:$0x3FB3]  }
0x39: {  	_ = 	snop;
	(pc) =	sbr.ind lr, $3  }
0x3a: {  	_ = 	snop  }
0x3b: {  	_ = 	snop  }
0x3c: {  	p2 =	seq.s32 s10, $0x1;
	s10 =	sld [smem:$0x3FB2]  }
0x3d: {  	_ =	shalt  }
0x3e: {  	_ =	shalt  }
0x3f: {  	_ =	shalt  }
0x40: {  	_ =	shalt  }
0x41: {  	_ =	shalt  }
0x42: {  	_ =	shalt  }
0x43: {  	_ =	shalt  }
0x44: {  	_ =	shalt  }
0x45: {  	_ =	shalt  }
0x46: {  	_ =	shalt  }
0x47: {  	_ =	shalt  }
0x48: {  	_ =	shalt  }
0x49: {  	_ =	shalt  }
0x4a: {  	_ =	shalt  }
0x4b: {  	_ =	shalt  }
0x4c: {  	_ =	shalt  }
0x4d: {  	_ =	shalt  }
0x4e: {  	_ =	shalt  }
0x4f: {  	_ =	shalt  }
0x50: {  	_ =	shalt  }
0x51: {  	_ =	shalt  }
0x52: {  	_ =	shalt  }
0x53: {  	_ =	shalt  }
0x54: {  	_ =	shalt  }
0x55: {  	_ =	shalt  }
0x56: {  	_ =	shalt  }
0x57: {  	_ =	shalt  }
0x58: {  	_ =	shalt  }
0x59: {  	_ =	shalt  }
0x5a: {  	_ =	shalt  }
0x5b: {  	_ =	shalt  }
0x5c: {  	_ =	shalt  }
0x5d: {  	_ =	shalt  }
0x5e: {  	_ =	shalt  }
0x5f: {  	_ =	shalt  }
0x60: {  	_ =	shalt  }
0x61: {  	_ =	shalt  }
0x62: {  	_ =	shalt  }
0x63: {  	_ =	shalt  }
0x64: {  	_ =	shalt  }
0x65: {  	_ =	shalt  }
0x66: {  	_ =	shalt  }
0x67: {  	_ =	shalt  }
0x68: {  	_ =	shalt  }
0x69: {  	_ =	shalt  }
0x6a: {  	_ =	shalt  }
0x6b: {  	_ =	shalt  }
0x6c: {  	_ =	shalt  }
0x6d: {  	_ =	shalt  }
0x6e: {  	_ =	shalt  }
0x6f: {  	_ =	shalt  }
0x70: {  	_ =	shalt  }
0x71: {  	_ =	shalt  }
0x72: {  	_ =	shalt  }
0x73: {  	_ =	shalt  }
0x74: {  	_ =	shalt  }
0x75: {  	_ =	shalt  }
0x76: {  	_ =	shalt  }
0x77: {  	_ =	shalt  }
0x78: {  	_ =	shalt  }
0x79: {  	_ =	shalt  }
0x7a: {  	_ =	shalt  }
0x7b: {  	_ =	shalt  }
0x7c: {  	_ =	shalt  }
0x7d: {  	_ =	shalt  }
0x7e: {  	_ =	shalt  }
0x7f: {  	_ =	shalt  }
0x80: {  	_ =	shalt  }
0x81: {  	_ =	shalt  }
0x82: {  	_ =	shalt  }
0x83: {  	_ =	shalt  }
0x84: {  	_ =	shalt  }
0x85: {  	_ =	shalt  }
0x86: {  	_ =	shalt  }
0x87: {  	_ =	shalt  }
.Lfunc_end0:
.L_simem_size_0:
called_computation.2_lowered:
.L_overlay_start_0:
0x88: {  	s2 =	sld [smem:$0x3FD9]  }
0x89: {  	s3 =	sld [smem:$0x3FFE];
	_ =	sdelay $0x1  }
0x8a: {  	s1 =	srdreg.scid  }
0x8b: {  	s0 =	sand.u32 $0x1, s1  }
0x8c: {  	s16 =	sshll.u32 s0, $0xA;
	s2 =	sadd.s32 s3, s2  }
0x8d: {  	s2 =	sadd.s32 s2, s16  }
0x8e: {  	[smem:$0x3FBE] =	sst s2  }
0x8f: {  	_ = 	snop  }
0x90: {  	(tm) =	ssettm $0x1  }
0x91: {  	s17 =	sld [smem:$0x3FFB];
	_ =	sdelay $0x3  }
0x92: {  	_ =	strace s17  }
0x93: {  	s2 =	sld [smem:$0x3FFC];
	_ =	sdelay $0x3  }
0x94: {  	_ =	strace s2  }
0x95: {  	s2 =	sld [smem:$0x3FFD];
	_ =	sdelay $0x3  }
0x96: {  	_ =	strace s2  }
0x97: {  	_ =	strace $0x8FFFFFFF  }
0x98: {  	s18 =	sld [smem:$0x3FDB];
	_ =	sdelay $0x1  }
0x99: {  	s19 =	simm.s32 $_scs_section_size  }
0x9a: {  	s4 =	simm.s32 $_size__tile_overlayer_lowered;
	s5 =	simm.s32 $_tile_overlayer_lowered  }
0x9b: {  	s22 =	simm.s32 $0x1BFF;
	s21 =	sshll.u32 s5, $0x1;
	s2 =	sadd.s32 s19, s18  }
0x9c: {  	s6 =	simm.s32 $0x0;
	s20 =	sshll.u32 s4, $0x1;
	s4 =	sadd.s32 s21, s2  }
0x9d: {  	[timem:s6], [sflag:s22] =	dma.local [hbm:s4], s20  }
0x9e: {  	_ =	swait.ge [sflag:s22], s20  }
0x9f: {  	s3 =	ssub.s32 $0x0, s20;
	[sflag:s22] =	ssyncset.done $0x0  }
0xa0: {  	[sflag:s22] =	ssyncadd.s32 s3;
	_ =	sdelay $0x1  }
0xa1: {  	s23 =	simm.s32 $0x1B8B  }
0xa2: {  	_ =	swait.ge [sflag:s23], $0x1  }
0xa3: {  	[sflag:s23] =	ssyncset.done $0x0  }
0xa4: {  	s25 =	simm.s32 $0x1B8E;
	s24 =	sld [smem:$0x3FFE];
	[sflag:s23] =	ssyncadd.s32 $0xFFFFFFFF  }
0xa5: {  	s26 =	simm.s32 $execute0_lowered;
	[smem:$0x3FD2] =	sst s25  }
0xa6: {  	s4 =	sshll.u32 s26, $0x1;
	_ =	strace $0x8000004C;
	[dreg:$0x1] =	wrdreg $0xFFFFFFFF  }
0xa7: {  	s28 =	simm.s32 $_size_execute0_lowered;
	s2 =	sadd.s32 s2, s4;
	[dreg:$0x0] =	wrdreg $0x0  }
0xa8: {  	s4 =	sshll.u32 s28, $0x1;
	[dreg:$0x2] =	wrdreg s2  }
0xa9: {  	[dreg:$0x3] =	wrdreg s4  }
0xaa: {  	[dreg:$0x4] =	wrdreg $0xC0  }
0xab: {  	_ =	task [dreg:s6], $0x5FFFF  }
0xac: {  	[dreg:$0x1] =	wrdreg $0xFFFFFFFF  }
0xad: {  	[dreg:$0x0] =	wrdreg $0x60  }
0xae: {  	[dreg:$0x2] =	wrdreg s24  }
0xaf: {  	[dreg:$0x3] =	wrdreg $0x0  }
0xb0: {  	[dreg:$0x4] =	wrdreg $0x9  }
0xb1: {  	_ =	task.clear_ibuf [dreg:s6], $0x5FFFF;
	_ =	strace $0x9000004C  }
0xb2: {  	s29 =	simm.s32 $0x9;
	_ =	strace $0x8000004E  }
0xb3: {  	_ =	swait.ge [sflag:s29], $0x1  }
0xb4: {  	[sflag:s29] =	ssyncadd.s32 $0xFFFFFFFF  }
0xb5: {  	_ =	strace $0x9000004E  }
0xb6: {  	_ =	sfence  }
0xb7: {  	s30 =	sld [smem:$0x0];
	_ =	sdelay $0x2  }
0xb8: {  	s31 =	sshll.u32 s1, $0xD;
	s1 =	sshrl.u32 s1, $0x2  }
0xb9: {  	s3 =	sand.u32 $0x4000, s31;
	s1 =	sadd.s32 s1, s30  }
0xba: {  	s0 =	sor.u32 s3, s0;
	s1 =	sshll.u32 s1, $0x11  }
0xbb: {  	s0 =	sor.u32 s1, s0  }
0xbc: {  	s0 =	sadd.s32 $0x8F2B, s0  }
0xbd: {  	[sflag:s0] =	ssyncadd.remote.s32 $0x1  }
0xbe: {  	_ =	sfence.sel $0xFFFF  }
0xbf: {  	[dreg:$0x0] =	wrdreg $0xFFFFFFFF;
	(pc) =	sbr.abs _section_cstart, $3  }
0xc0: {  	[dreg:$0x1] =	wrdreg $0xFFFFFFFF  }
0xc1: {  	_ =	task.clear_ibuf [dreg:s6], $0x2FFFF;
	_ =	strace $0x9FFFFFFF  }
0xc2: {  	(tm) =	ssettm $0x7FFFFFFF  }
0xc3: {  	_ =	shalt  }
tec
execute0_lowered:
.L_overlay_start_1:
0x0: {  	(tag) =	ssettag $0x1  }
0x1: {  	s5 =	rddreg [dreg:$0x0];
	s0 =	srdreg.scid  }
0x2: {  	s2 =	rddreg [dreg:$0x1];
	s1 =	stileid.u32;
	s3 =	simm.s32 $0x0  }
0x3: {  	s17 =	simm.s32 $0x14100;
	s18 =	simm.s32 $0x2;
	s19 =	simm.s32 $0x14000  }
0x4: {  	s20 =	simm.s32 $0x14080;
	s21 =	simm.s32 $0x50;
	s7 =	smul.u32 $0x2710, s1  }
0x5: {  	s22 =	simm.s32 $0x1;
	s6 =	sand.u32 $0x1, s0;
	s10 =	smul.u32 $0x50000, s1  }
0x6: {  	s23 =	simm.s32 $0x0;
	s0 =	rddreg [dreg:$0x2];
	s4 =	smul.u32 $0x27100, s6  }
0x7: {  	[smem:$0x7FF] =	sst s3;
	s8 =	smul.u32 $0x140000, s6;
	s6 =	ssub.s32 $0x2, s6  }
0x8: {  	s9 =	smul.u32 $0x14000, s1;
	_ =	strace $0x8000004D;
	s30 =	sshrl.u32 s6, $0x1  }
0x9: {  	s31 =	sshrl.u32 s10, $0x2;
	s7 =	sadd.s32 s7, s4;
	s4 =	sadd.s32 $0x15A00, s5  }
0xa: {  	s29 =	sadd.s32 s9, s8;
	s14 =	ssub.s32 s6, s30;
	s7 =	sshrl.u32 s7, $0x3  }
0xb: {  	s14 =	smax.u32 s14, $0x1;
	s16 =	sadd.s32 s7, s5;
	s7 =	sshrl.u32 s29, $0x3  }
0xc: {  	s13 =	sadd.s32 s7, s5;
	s5 =	sadd.s32 s31, s2;
	s15 =	sadd.s32 $0x1E00, s16  }
0xd: {  	s16 =	sadd.s32 $0xBC00, s16;
	s6 =	sadd.s32 $0x2800, s5;
	s7 =	sadd.s32 $0x5000, s5  }
0xe: {  	s8 =	sadd.s32 $0x7800, s5;
	s9 =	sadd.s32 $0xA000, s5;
	s10 =	sadd.s32 $0xC800, s5  }
0xf: {  	v0 =	vimm.f32 $0.0e+00;
	s11 =	sadd.s32 $0xF000, s5;
	s12 =	sadd.s32 $0x11800, s5;
	s13 =	sadd.s32 $0x3DA00, s13  }
.LBB2_1:
0x10: {  	s24 =	simm.s32 $0x0;
	s25 =	simm.s32 $0x200  }
.LBB2_2:
0x11: {  	p0 =	sne.s32 s25, $0x9E00;
	[tilespmem:s24+$0x14170] =	vst v0  }
0x12: {  	[tilespmem:s24+$0x14100] =	vst v0  }
0x13: {  	[tilespmem:s24+$0x14110] =	vst v0  }
.Ltmp0:
0x14: {  	[tilespmem:s24+$0x14120] =	vst v0;
	(pc) =	sbr.rel @p0 .LBB2_2-.Ltmp0, $4  }
0x15: {  	[tilespmem:s24+$0x14130] =	vst v0  }
0x16: {  	[tilespmem:s24+$0x14140] =	vst v0  }
0x17: {  	[tilespmem:s24+$0x14150] =	vst v0  }
0x18: {  	[tilespmem:s24+$0x14160] =	vst v0;
	s24 =	sshra.s32 s25, $0x2;
	s25 =	sadd.s32 $0x200, s25  }
0x19: {  	[tilespmem:s24+$0x14170] =	vst v0  }
0x1a: {  	[tilespmem:s24+$0x14100] =	vst v0  }
0x1b: {  	[tilespmem:s24+$0x14110] =	vst v0  }
0x1c: {  	[tilespmem:s24+$0x14120] =	vst v0  }
0x1d: {  	[tilespmem:s24+$0x14130] =	vst v0  }
0x1e: {  	[tilespmem:s24+$0x14140] =	vst v0  }
0x1f: {  	[tilespmem:s24+$0x14150] =	vst v0  }
0x20: {  	[tilespmem:s24+$0x14160] =	vst v0  }
0x21: {  	[spmem:s5] =	stream.linear.scatter [tilespmem:s17], [sflag:$0x2], $0x2800, $0x38;
	[tilespmem:$0x16900] =	vst v63  }
0x22: {  	_ =	swait.ge [sflag:s18], $0x2800  }
0x23: {  	[sflag:s18] =	ssyncset.done $0x0  }
0x24: {  	[sflag:s18] =	ssyncadd.s32 $0xFFFFD800  }
0x25: {  	[spmem:s6] =	stream.linear.scatter [tilespmem:s17], [sflag:$0x2], $0x2800, $0x38;
	[tilespmem:$0x16900] =	vst v63  }
0x26: {  	_ =	swait.ge [sflag:s18], $0x2800  }
0x27: {  	[sflag:s18] =	ssyncset.done $0x0  }
0x28: {  	[sflag:s18] =	ssyncadd.s32 $0xFFFFD800  }
0x29: {  	[spmem:s7] =	stream.linear.scatter [tilespmem:s17], [sflag:$0x2], $0x2800, $0x38;
	[tilespmem:$0x16900] =	vst v63  }
0x2a: {  	_ =	swait.ge [sflag:s18], $0x2800  }
0x2b: {  	[sflag:s18] =	ssyncset.done $0x0  }
0x2c: {  	[sflag:s18] =	ssyncadd.s32 $0xFFFFD800  }
0x2d: {  	[spmem:s8] =	stream.linear.scatter [tilespmem:s17], [sflag:$0x2], $0x2800, $0x38;
	[tilespmem:$0x16900] =	vst v63  }
0x2e: {  	_ =	swait.ge [sflag:s18], $0x2800  }
0x2f: {  	[sflag:s18] =	ssyncset.done $0x0  }
0x30: {  	[sflag:s18] =	ssyncadd.s32 $0xFFFFD800  }
0x31: {  	[spmem:s9] =	stream.linear.scatter [tilespmem:s17], [sflag:$0x2], $0x2800, $0x38;
	[tilespmem:$0x16900] =	vst v63  }
0x32: {  	_ =	swait.ge [sflag:s18], $0x2800  }
0x33: {  	[sflag:s18] =	ssyncset.done $0x0  }
0x34: {  	[sflag:s18] =	ssyncadd.s32 $0xFFFFD800  }
0x35: {  	[spmem:s10] =	stream.linear.scatter [tilespmem:s17], [sflag:$0x2], $0x2800, $0x38;
	[tilespmem:$0x16900] =	vst v63  }
0x36: {  	_ =	swait.ge [sflag:s18], $0x2800  }
0x37: {  	[sflag:s18] =	ssyncset.done $0x0  }
0x38: {  	[sflag:s18] =	ssyncadd.s32 $0xFFFFD800  }
0x39: {  	[spmem:s11] =	stream.linear.scatter [tilespmem:s17], [sflag:$0x2], $0x2800, $0x38;
	[tilespmem:$0x16900] =	vst v63  }
0x3a: {  	_ =	swait.ge [sflag:s18], $0x2800  }
0x3b: {  	[sflag:s18] =	ssyncset.done $0x0  }
0x3c: {  	[sflag:s18] =	ssyncadd.s32 $0xFFFFD800  }
0x3d: {  	[spmem:s12] =	stream.linear.scatter [tilespmem:s17], [sflag:$0x2], $0x2800, $0x38;
	[tilespmem:$0x16900] =	vst v63  }
0x3e: {  	_ =	swait.ge [sflag:s18], $0x2800  }
0x3f: {  	[sflag:s18] =	ssyncset.done $0x0  }
0x40: {  	[sflag:s18] =	ssyncadd.s32 $0xFFFFD800  }
0x41: {  	s30 =	sadd.s32 $0x0, s16;
	[bflag:$0x0] =	sbarrier.arrive $0xFFFF  }
0x42: {  	[tilespmem:s19], [sflag:$0x2] =	stream.linear.gather [hbm4b:s30+s3], $0x50, $0x38;
	[tilespmem:$0x16900] =	vst v63  }
0x43: {  	_ =	swait.ge [sflag:s18], $0x50  }
0x44: {  	[sflag:s18] =	ssyncset.done $0x0  }
0x45: {  	s31 =	sadd.s32 $0x0, s15;
	[sflag:s18] =	ssyncadd.s32 $0xFFFFFFB0  }
0x46: {  	[tilespmem:s20], [sflag:$0x2] =	stream.linear.gather [hbm4b:s31+s3], $0x50, $0x38;
	[tilespmem:$0x16900] =	vst v63  }
0x47: {  	_ =	swait.ge [sflag:s18], $0x50  }
0x48: {  	[sflag:s18] =	ssyncset.done $0x0  }
0x49: {  	[sflag:s18] =	ssyncadd.s32 $0xFFFFFFB0  }
0x4a: {  	[tilespmem:s17], [sflag:$0x1] =	stream.indirect.gather [hbm4b:s4+s21], $0x80, s19, s21, $0xb8;
	[tilespmem:$0x16900] =	vst v63  }
0x4b: {  	_ =	swait.ge [sflag:s22], $0x2800  }
0x4c: {  	[sflag:s22] =	ssyncset.done $0x0  }
0x4d: {  	[sflag:s22] =	ssyncadd.s32 $0xFFFFD800  }
0x4e: {  	[spmem:s2] =	stream.indirect.scatter.add.f32 [tilespmem:s17], [sflag:$0x2], $0x80, s20, s21, $0xb8;
	[tilespmem:$0x16900] =	vst v63  }
0x4f: {  	_ =	swait.ge [sflag:s18], $0x2800  }
0x50: {  	s24 =	simm.s32 $0xA;
	s25 =	simm.s32 $0x14;
	[sflag:s18] =	ssyncset.done $0x0  }
.LBB2_4:
0x51: {  	s26 =	sadd.s32 s24, s16  }
0x52: {  	[sflag:s18] =	ssyncadd.s32 $0xFFFFD800;
	s28 =	smov.u32 s25;
	s29 =	sadd.s32 $0xA, s25  }
0x53: {  	[tilespmem:s19], [sflag:$0x2] =	stream.linear.gather [hbm4b:s26+s3], $0x50, $0x38;
	[tilespmem:$0x16900] =	vst v63  }
0x54: {  	p0 =	sne.s32 s25, $0x4D8;
	_ =	swait.ge [sflag:s18], $0x50  }
0x55: {  	[sflag:s18] =	ssyncset.done $0x0  }
0x56: {  	s25 =	sadd.s32 s24, s15;
	s24 =	smov.u32 s28;
	[sflag:s18] =	ssyncadd.s32 $0xFFFFFFB0  }
0x57: {  	[tilespmem:s20], [sflag:$0x2] =	stream.linear.gather [hbm4b:s25+s3], $0x50, $0x38;
	[tilespmem:$0x16900] =	vst v63  }
0x58: {  	_ =	swait.ge [sflag:s18], $0x50  }
0x59: {  	[sflag:s18] =	ssyncset.done $0x0  }
0x5a: {  	[sflag:s18] =	ssyncadd.s32 $0xFFFFFFB0  }
0x5b: {  	[tilespmem:s17], [sflag:$0x1] =	stream.indirect.gather [hbm4b:s4+s21], $0x80, s19, s21, $0xb8;
	[tilespmem:$0x16900] =	vst v63  }
0x5c: {  	_ =	swait.ge [sflag:s22], $0x2800  }
.Ltmp1:
0x5d: {  	[sflag:s22] =	ssyncset.done $0x0;
	(pc) =	sbr.rel @p0 .LBB2_4-.Ltmp1, $4  }
0x5e: {  	[sflag:s22] =	ssyncadd.s32 $0xFFFFD800  }
0x5f: {  	[spmem:s2] =	stream.indirect.scatter.add.f32 [tilespmem:s17], [sflag:$0x2], $0x80, s20, s21, $0xb8;
	[tilespmem:$0x16900] =	vst v63  }
0x60: {  	_ =	swait.ge [sflag:s18], $0x2800  }
0x61: {  	s25 =	smov.u32 s29;
	[sflag:s18] =	ssyncset.done $0x0  }
0x62: {  	s25 =	sadd.s32 s24, s16;
	[sflag:s18] =	ssyncadd.s32 $0xFFFFD800  }
0x63: {  	[tilespmem:s19], [sflag:$0x2] =	stream.linear.gather [hbm4b:s25+s3], $0x50, $0x38;
	[tilespmem:$0x16900] =	vst v63  }
0x64: {  	_ =	swait.ge [sflag:s18], $0x50  }
0x65: {  	[sflag:s18] =	ssyncset.done $0x0  }
0x66: {  	s29 =	sadd.s32 s24, s15;
	[sflag:s18] =	ssyncadd.s32 $0xFFFFFFB0  }
0x67: {  	[tilespmem:s20], [sflag:$0x2] =	stream.linear.gather [hbm4b:s29+s3], $0x50, $0x38;
	[tilespmem:$0x16900] =	vst v63  }
0x68: {  	_ =	swait.ge [sflag:s18], $0x50  }
0x69: {  	[sflag:s18] =	ssyncset.done $0x0  }
0x6a: {  	[sflag:s18] =	ssyncadd.s32 $0xFFFFFFB0  }
0x6b: {  	[tilespmem:s17], [sflag:$0x1] =	stream.indirect.gather [hbm4b:s4+s21], $0x80, s19, s21, $0xb8;
	[tilespmem:$0x16900] =	vst v63  }
0x6c: {  	_ =	swait.ge [sflag:s22], $0x2800  }
0x6d: {  	[sflag:s22] =	ssyncset.done $0x0  }
0x6e: {  	[sflag:s22] =	ssyncadd.s32 $0xFFFFD800  }
0x6f: {  	[spmem:s2] =	stream.indirect.scatter.add.f32 [tilespmem:s17], [sflag:$0x2], $0x80, s20, s21, $0xb8;
	[tilespmem:$0x16900] =	vst v63  }
0x70: {  	_ =	swait.ge [sflag:s18], $0x2800  }
0x71: {  	s30 =	sshll.u32 s1, $0x6;
	s23 =	sadd.s32 $0x1, s23;
	[sflag:s18] =	ssyncset.done $0x0  }
0x72: {  	s31 =	sshrl.u32 s5, $0x3;
	p0 =	sne.s32 s23, s14;
	[sflag:s18] =	ssyncadd.s32 $0xFFFFD800  }
.Ltmp2:
0x73: {  	s24 =	sor.u32 $0x1C02, s30;
	[bflag:$0x0] =	sbarrier.arrive $0xFFFF;
	(pc) =	sbr.rel @p0 .LBB2_1-.Ltmp2, $4  }
0x74: {  	[hbm:s13], [sflag:s24] =	dma.local [spmem:s31], $0x2800  }
0x75: {  	_ =	swait.ge [sflag:s18], $0x2800  }
0x76: {  	[sflag:s18] =	ssyncset.done $0x0  }
0x77: {  	[sflag:s18] =	ssyncadd.s32 $0xFFFFD800  }
0x78: {  	_ =	sfence.sel $0x180000  }
0x79: {  	[bflag:$0x0] =	sbarrier.arrive $0xFFFF  }
0x7a: {  	p0 =	sne.s32 s1, $0x0;
	_ =	strace $0x9000004D  }
0x7b: {  	s0 =	sadd.s32 @!p0 $0x100000, s0;
	[bflag:$0x2] =	sbarrier.arrive $0xFFFF  }
0x7c: {  	[sflag:s0] =	ssyncadd.tile.s32 @!p0 $0x1;
	_ =	shalt  }
.Lfunc_end2:
_tile_overlayer_lowered:
.L_overlay_start_2:
0x7d: {  	(tag) =	ssettag $0x2  }
0x7e: {  	s0 =	rddreg [dreg:$0x0];
	s2 =	stileid.u32  }
0x7f: {  	s1 =	rddreg [dreg:$0x1];
	p0 =	sne.s32 s2, $0x0  }
0x80: {  	s3 =	rddreg [dreg:$0x2];
	[bflag:$0x3] =	sbarrier.arrive $0xFFFF;
	s2 =	simm.s32 @!p0 $0x1C02  }
0x81: {  	[timem:s3], [sflag:s2] =	dma.local @!p0 [hbm:s0], s1  }
0x82: {  	s0 =	simm.s32 @!p0 $0x2  }
0x83: {  	_ =	swait.ge @!p0 [sflag:s0], s1  }
0x84: {  	s1 =	ssub.s32 @!p0 $0x0, s1;
	[sflag:s0] =	ssyncset.done @!p0 $0x0  }
0x85: {  	[sflag:s0] =	ssyncadd.s32 @!p0 s1  }
0x86: {  	[bflag:$0x3] =	sbarrier.arrive $0xFFFF  }
0x87: {  	_ =	shalt  }

// kernel: kernel.7.cloned.1.call-start
scs
__scs_entry_jumppad:
0x0: {  	(pc) =	sbr.rel $0x88, $3  }
0x1: {  	(tag) =	ssettag $0x0;
	lr =	simm.s32 $0x1  }
0x2: {  	[smem:$0x3F97] =	sst lr;
	_ =	strace $0xD0000000  }
0x3: {  	_ = 	snop  }
0x4: {  	_ = 	snop  }
0x5: {  	_ = 	snop  }
0x6: {  	_ = 	snop  }
0x7: {  	_ = 	snop  }
__scs_overlays_trampoline_lowered:
0x8: {  	[smem:$0x3FA6] =	sst s0  }
0x9: {  	[smem:$0x3FA7] =	sst s1  }
0xa: {  	[smem:$0x3FA8] =	sst s2  }
0xb: {  	[smem:$0x3FA9] =	sst s3  }
0xc: {  	[smem:$0x3FAA] =	sst s4  }
0xd: {  	[smem:$0x3FAB] =	sst s5  }
0xe: {  	[smem:$0x3FAC] =	sst s6  }
0xf: {  	[smem:$0x3FAD] =	sst s7  }
0x10: {  	[smem:$0x3FAE] =	sst s8  }
0x11: {  	[smem:$0x3FAF] =	sst s9;
	s0 =	simm.s32 @!p0 $0x0  }
0x12: {  	s1 =	sld [smem:$0x3F95];
	s0 =	simm.s32 @p0 $0x1  }
0x13: {  	[smem:$0x3FB0] =	sst s0;
	s0 =	simm.s32 @!p1 $0x0  }
0x14: {  	s2 =	sld [smem:$0x3F94];
	s0 =	simm.s32 @p1 $0x1  }
0x15: {  	[smem:$0x3FB1] =	sst s0;
	s0 =	simm.s32 @!p2 $0x0  }
0x16: {  	s3 =	sld [smem:$0x3FDB];
	s0 =	simm.s32 @p2 $0x1  }
0x17: {  	s4 =	simm.s32 $0x1BF5;
	[smem:$0x3FB3] =	sst s0  }
0x18: {  	s0 =	sld [smem:$0x3F96];
	_ =	swait.ge [sflag:s4], $0x0  }
0x19: {  	s7 =	sld [smem:$0x3F97]  }
0x1a: {  	s8 =	sadd.s32 $0xFFFFE003, lr  }
0x1b: {  	s9 =	sadd.s32 $0xFFFFFEF7, lr;
	s5 =	simm.s32 $0xFFFFFFFF;
	p2 =	slt.u32 s8, $0xFFFFF086  }
0x1c: {  	p1 =	slt.u32 s9, $0xF7A;
	s5 =	simm.s32 @!p2 $0x0  }
0x1d: {  	s5 =	simm.s32 @p1 $0x1;
	p0 =	seq.s32 s7, s2  }
0x1e: {  	s7 =	smul.u32 @!p0 $0xF7A, s2;
	p2 =	seq.s32 @!p0 s5, $0x0  }
0x1f: {  	s9 =	smul.u32 $0xF7A, s1;
	s8 =	simm.s32 @!p0 $0x1BF5;
	p2 =	por !p2, p0  }
0x20: {  	[sflag:s8] =	ssyncset.s32 @!p0 $0xFFFFF086;
	s6 =	sadd.s32 @!p0 s3, s7;
	s7 =	simm.s32 @!p0 $0x108  }
0x21: {  	s3 =	sadd.s32 s3, s9;
	s6 =	sadd.s32 @!p0 $0x88, s6;
	s7 =	simm.s32 @p2 $0x1082  }
0x22: {  	[simem:s7], [sflag:s8] =	dma.local @!p0 [hbm:s6], $0xF7A  }
0x23: {  	s9 =	sor.u32 $0xD0000000, s2;
	s6 =	simm.s32 $0x108;
	_ =	swait.ge @!p0 [sflag:s8], $0x0  }
0x24: {  	s3 =	sadd.s32 $0x88, s3;
	s6 =	simm.s32 @!p1 $0x1082;
	[sflag:s4] =	ssyncset.s32 $0xFFFFF086  }
0x25: {  	[simem:s6], [sflag:s4] =	dma.local [hbm:s3], $0xF7A  }
0x26: {  	[smem:$0x3F97] =	sst s1;
	(tag) =	ssettag s2;
	_ =	strace s9  }
0x27: {  	s1 =	sld [smem:$0x3FA7]  }
0x28: {  	s2 =	sld [smem:$0x3FA8]  }
0x29: {  	s4 =	sld [smem:$0x3FAA]  }
0x2a: {  	p0 =	seq.s32 s5, $0x0;
	s5 =	sld [smem:$0x3FAB]  }
0x2b: {  	s6 =	sld [smem:$0x3FAC]  }
0x2c: {  	s7 =	sld [smem:$0x3FAD]  }
0x2d: {  	s3 =	simm.s32 $0x108;
	s8 =	sld [smem:$0x3FAE]  }
0x2e: {  	s3 =	simm.s32 @!p0 $0x1082;
	s9 =	sld [smem:$0x3FAF]  }
0x2f: {  	lr =	sadd.s32 s0, s3;
	s0 =	sld [smem:$0x3FA6]  }
0x30: {  	s3 =	sld [smem:$0x3FA9]  }
0x31: {  	[smem:$0x3FB2] =	sst s10  }
0x32: {  	s10 =	sld [smem:$0x3FB0];
	_ =	sdelay $0x3  }
0x33: {  	p0 =	seq.s32 s10, $0x1;
	s10 =	sld [smem:$0x3FB2];
	_ =	sdelay $0x3  }
0x34: {  	[smem:$0x3FB2] =	sst s10  }
0x35: {  	s10 =	sld [smem:$0x3FB1];
	_ =	sdelay $0x3  }
0x36: {  	p1 =	seq.s32 s10, $0x1;
	s10 =	sld [smem:$0x3FB2];
	_ =	sdelay $0x3  }
0x37: {  	[smem:$0x3FB2] =	sst s10  }
0x38: {  	s10 =	sld [smem:$0x3FB3]  }
0x39: {  	_ = 	snop;
	(pc) =	sbr.ind lr, $3  }
0x3a: {  	_ = 	snop  }
0x3b: {  	_ = 	snop  }
0x3c: {  	p2 =	seq.s32 s10, $0x1;
	s10 =	sld [smem:$0x3FB2]  }
0x3d: {  	_ =	shalt  }
0x3e: {  	_ =	shalt  }
0x3f: {  	_ =	shalt  }
0x40: {  	_ =	shalt  }
0x41: {  	_ =	shalt  }
0x42: {  	_ =	shalt  }
0x43: {  	_ =	shalt  }
0x44: {  	_ =	shalt  }
0x45: {  	_ =	shalt  }
0x46: {  	_ =	shalt  }
0x47: {  	_ =	shalt  }
0x48: {  	_ =	shalt  }
0x49: {  	_ =	shalt  }
0x4a: {  	_ =	shalt  }
0x4b: {  	_ =	shalt  }
0x4c: {  	_ =	shalt  }
0x4d: {  	_ =	shalt  }
0x4e: {  	_ =	shalt  }
0x4f: {  	_ =	shalt  }
0x50: {  	_ =	shalt  }
0x51: {  	_ =	shalt  }
0x52: {  	_ =	shalt  }
0x53: {  	_ =	shalt  }
0x54: {  	_ =	shalt  }
0x55: {  	_ =	shalt  }
0x56: {  	_ =	shalt  }
0x57: {  	_ =	shalt  }
0x58: {  	_ =	shalt  }
0x59: {  	_ =	shalt  }
0x5a: {  	_ =	shalt  }
0x5b: {  	_ =	shalt  }
0x5c: {  	_ =	shalt  }
0x5d: {  	_ =	shalt  }
0x5e: {  	_ =	shalt  }
0x5f: {  	_ =	shalt  }
0x60: {  	_ =	shalt  }
0x61: {  	_ =	shalt  }
0x62: {  	_ =	shalt  }
0x63: {  	_ =	shalt  }
0x64: {  	_ =	shalt  }
0x65: {  	_ =	shalt  }
0x66: {  	_ =	shalt  }
0x67: {  	_ =	shalt  }
0x68: {  	_ =	shalt  }
0x69: {  	_ =	shalt  }
0x6a: {  	_ =	shalt  }
0x6b: {  	_ =	shalt  }
0x6c: {  	_ =	shalt  }
0x6d: {  	_ =	shalt  }
0x6e: {  	_ =	shalt  }
0x6f: {  	_ =	shalt  }
0x70: {  	_ =	shalt  }
0x71: {  	_ =	shalt  }
0x72: {  	_ =	shalt  }
0x73: {  	_ =	shalt  }
0x74: {  	_ =	shalt  }
0x75: {  	_ =	shalt  }
0x76: {  	_ =	shalt  }
0x77: {  	_ =	shalt  }
0x78: {  	_ =	shalt  }
0x79: {  	_ =	shalt  }
0x7a: {  	_ =	shalt  }
0x7b: {  	_ =	shalt  }
0x7c: {  	_ =	shalt  }
0x7d: {  	_ =	shalt  }
0x7e: {  	_ =	shalt  }
0x7f: {  	_ =	shalt  }
0x80: {  	_ =	shalt  }
0x81: {  	_ =	shalt  }
0x82: {  	_ =	shalt  }
0x83: {  	_ =	shalt  }
0x84: {  	_ =	shalt  }
0x85: {  	_ =	shalt  }
0x86: {  	_ =	shalt  }
0x87: {  	_ =	shalt  }
.Lfunc_end0:
.L_simem_size_0:
called_computation_lowered:
.L_overlay_start_0:
0x88: {  	s2 =	sld [smem:$0x3FD9]  }
0x89: {  	s3 =	sld [smem:$0x3FFE];
	_ =	sdelay $0x1  }
0x8a: {  	s1 =	srdreg.scid  }
0x8b: {  	s0 =	sand.u32 $0x1, s1  }
0x8c: {  	s16 =	sshll.u32 s0, $0xA;
	s2 =	sadd.s32 s3, s2  }
0x8d: {  	s2 =	sadd.s32 s2, s16  }
0x8e: {  	[smem:$0x3FBE] =	sst s2  }
0x8f: {  	_ = 	snop  }
0x90: {  	(tm) =	ssettm $0x1  }
0x91: {  	s17 =	sld [smem:$0x3FFB];
	_ =	sdelay $0x3  }
0x92: {  	_ =	strace s17  }
0x93: {  	s2 =	sld [smem:$0x3FFC];
	_ =	sdelay $0x3  }
0x94: {  	_ =	strace s2  }
0x95: {  	s2 =	sld [smem:$0x3FFD];
	_ =	sdelay $0x3  }
0x96: {  	_ =	strace s2  }
0x97: {  	_ =	strace $0x8FFFFFFF  }
0x98: {  	s18 =	sld [smem:$0x3FDB];
	_ =	sdelay $0x1  }
0x99: {  	s19 =	simm.s32 $_scs_section_size  }
0x9a: {  	s4 =	simm.s32 $_size__tile_overlayer_lowered;
	s5 =	simm.s32 $_tile_overlayer_lowered  }
0x9b: {  	s22 =	simm.s32 $0x1BFF;
	s21 =	sshll.u32 s5, $0x1;
	s2 =	sadd.s32 s19, s18  }
0x9c: {  	s6 =	simm.s32 $0x0;
	s20 =	sshll.u32 s4, $0x1;
	s4 =	sadd.s32 s21, s2  }
0x9d: {  	[timem:s6], [sflag:s22] =	dma.local [hbm:s4], s20  }
0x9e: {  	_ =	swait.ge [sflag:s22], s20  }
0x9f: {  	s3 =	ssub.s32 $0x0, s20;
	[sflag:s22] =	ssyncset.done $0x0  }
0xa0: {  	[sflag:s22] =	ssyncadd.s32 s3;
	_ =	sdelay $0x1  }
0xa1: {  	s23 =	simm.s32 $0x1B8B  }
0xa2: {  	_ =	swait.ge [sflag:s23], $0x1  }
0xa3: {  	[sflag:s23] =	ssyncset.done $0x0  }
0xa4: {  	s25 =	simm.s32 $0x1B8E;
	s24 =	sld [smem:$0x3FFE];
	[sflag:s23] =	ssyncadd.s32 $0xFFFFFFFF  }
0xa5: {  	s26 =	simm.s32 $execute0_lowered;
	[smem:$0x3FD2] =	sst s25  }
0xa6: {  	s4 =	sshll.u32 s26, $0x1;
	_ =	strace $0x80000046;
	[dreg:$0x1] =	wrdreg $0xFFFFFFFF  }
0xa7: {  	s28 =	simm.s32 $_size_execute0_lowered;
	s2 =	sadd.s32 s2, s4;
	[dreg:$0x0] =	wrdreg $0x0  }
0xa8: {  	s4 =	sshll.u32 s28, $0x1;
	[dreg:$0x2] =	wrdreg s2  }
0xa9: {  	[dreg:$0x3] =	wrdreg s4  }
0xaa: {  	[dreg:$0x4] =	wrdreg $0xC0  }
0xab: {  	_ =	task [dreg:s6], $0x5FFFF  }
0xac: {  	[dreg:$0x1] =	wrdreg $0xFFFFFFFF  }
0xad: {  	[dreg:$0x0] =	wrdreg $0x60  }
0xae: {  	[dreg:$0x2] =	wrdreg s24  }
0xaf: {  	[dreg:$0x3] =	wrdreg $0x0  }
0xb0: {  	[dreg:$0x4] =	wrdreg $0x9  }
0xb1: {  	_ =	task.clear_ibuf [dreg:s6], $0x5FFFF;
	_ =	strace $0x90000046  }
0xb2: {  	s29 =	simm.s32 $0x9;
	_ =	strace $0x80000048  }
0xb3: {  	_ =	swait.ge [sflag:s29], $0x1  }
0xb4: {  	[sflag:s29] =	ssyncadd.s32 $0xFFFFFFFF  }
0xb5: {  	_ =	strace $0x90000048  }
0xb6: {  	_ =	sfence  }
0xb7: {  	s30 =	sld [smem:$0x0];
	_ =	sdelay $0x2  }
0xb8: {  	s31 =	sshll.u32 s1, $0xD;
	s1 =	sshrl.u32 s1, $0x2  }
0xb9: {  	s3 =	sand.u32 $0x4000, s31;
	s1 =	sadd.s32 s1, s30  }
0xba: {  	s0 =	sor.u32 s3, s0;
	s1 =	sshll.u32 s1, $0x11  }
0xbb: {  	s0 =	sor.u32 s1, s0  }
0xbc: {  	s0 =	sadd.s32 $0x8F2B, s0  }
0xbd: {  	[sflag:s0] =	ssyncadd.remote.s32 $0x1  }
0xbe: {  	_ =	sfence.sel $0xFFFF  }
0xbf: {  	[dreg:$0x0] =	wrdreg $0xFFFFFFFF;
	(pc) =	sbr.abs _section_cstart, $3  }
0xc0: {  	[dreg:$0x1] =	wrdreg $0xFFFFFFFF  }
0xc1: {  	_ =	task.clear_ibuf [dreg:s6], $0x2FFFF;
	_ =	strace $0x9FFFFFFF  }
0xc2: {  	(tm) =	ssettm $0x7FFFFFFF  }
0xc3: {  	_ =	shalt  }
tec
execute0_lowered:
.L_overlay_start_1:
0x0: {  	(tag) =	ssettag $0x1  }
0x1: {  	s4 =	rddreg [dreg:$0x0]  }
0x2: {  	s0 =	srdreg.scid;
	s2 =	rddreg [dreg:$0x1]  }
0x3: {  	s1 =	rddreg [dreg:$0x2];
	s5 =	sand.u32 $0x1, s0  }
0x4: {  	s3 =	simm.s32 $0x0;
	s0 =	stileid.u32;
	s6 =	smul.u32 $0x27100, s5  }
0x5: {  	s15 =	simm.s32 $0x2850;
	s16 =	simm.s32 $0x1;
	s7 =	smul.u32 $0x2710, s0  }
0x6: {  	s17 =	simm.s32 $0x2800;
	s18 =	simm.s32 $0x50;
	s8 =	smul.u32 $0x2800, s0  }
0x7: {  	s21 =	simm.s32 $0x0;
	[smem:$0x7FF] =	sst s3;
	s9 =	smul.u32 $0x28000, s5  }
0x8: {  	s28 =	smul.u32 $0xA000, s0;
	s5 =	ssub.s32 $0x2, s5;
	s19 =	sshll.u32 s0, $0x6  }
0x9: {  	_ =	strace $0x80000047;
	s30 =	sshrl.u32 s5, $0x1;
	s19 =	sor.u32 $0x1C01, s19  }
0xa: {  	s6 =	sadd.s32 s7, s6;
	s26 =	sadd.s32 s8, s9;
	s31 =	sshrl.u32 s28, $0x2  }
0xb: {  	s13 =	ssub.s32 s5, s30;
	s6 =	sshrl.u32 s6, $0x3;
	s29 =	sshrl.u32 s26, $0x3  }
0xc: {  	s11 =	sadd.s32 s31, s2;
	s13 =	smax.u32 s13, $0x1;
	s14 =	sadd.s32 s6, s4  }
0xd: {  	s12 =	sadd.s32 s29, s4;
	s4 =	sadd.s32 s8, s2;
	s5 =	sadd.s32 $0x500, s11  }
0xe: {  	s6 =	sadd.s32 $0xA00, s11;
	s7 =	sadd.s32 $0xF00, s11;
	s8 =	sadd.s32 $0x1400, s11  }
0xf: {  	s9 =	sadd.s32 $0x1900, s11;
	s10 =	sadd.s32 $0x1E00, s11;
	s11 =	sadd.s32 $0x2300, s11  }
0x10: {  	v0 =	vimm.f32 $0.0e+00;
	v1 =	vimm.f32 $1.000000000e+00;
	s12 =	sadd.s32 $0x15A00, s12;
	s14 =	sadd.s32 $0x1E00, s14;
	s20 =	sshrl.u32 s4, $0x3  }
.LBB2_1:
0x11: {  	s22 =	simm.s32 $0x40;
	s23 =	simm.s32 $0x0  }
.LBB2_2:
0x12: {  	p0 =	sne.s32 s22, $0x13C0;
	[tilespmem:s23+$0x2850] =	vst v0;
	s23 =	smov.u32 s22;
	s22 =	sadd.s32 $0x40, s22  }
.Ltmp0:
0x13: {  	(pc) =	sbr.rel @p0 .LBB2_2-.Ltmp0, $2  }
0x14: {  	_ =	sdelay $0x2  }
0x15: {  	s23 =	sshra.s32 s23, $0x2  }
0x16: {  	[tilespmem:s23+$0x2850] =	vst v0  }
0x17: {  	[spmem:s4] =	stream.linear.scatter [tilespmem:s15], [sflag:$0x1], $0x500, $0x38;
	[tilespmem:$0x2D50] =	vst v63  }
0x18: {  	_ =	swait.ge [sflag:s16], $0x500  }
0x19: {  	[sflag:s16] =	ssyncset.done $0x0  }
0x1a: {  	[sflag:s16] =	ssyncadd.s32 $0xFFFFFB00  }
0x1b: {  	[spmem:s5] =	stream.linear.scatter [tilespmem:s15], [sflag:$0x1], $0x500, $0x38;
	[tilespmem:$0x2D50] =	vst v63  }
0x1c: {  	_ =	swait.ge [sflag:s16], $0x500  }
0x1d: {  	[sflag:s16] =	ssyncset.done $0x0  }
0x1e: {  	[sflag:s16] =	ssyncadd.s32 $0xFFFFFB00  }
0x1f: {  	[spmem:s6] =	stream.linear.scatter [tilespmem:s15], [sflag:$0x1], $0x500, $0x38;
	[tilespmem:$0x2D50] =	vst v63  }
0x20: {  	_ =	swait.ge [sflag:s16], $0x500  }
0x21: {  	[sflag:s16] =	ssyncset.done $0x0  }
0x22: {  	[sflag:s16] =	ssyncadd.s32 $0xFFFFFB00  }
0x23: {  	[spmem:s7] =	stream.linear.scatter [tilespmem:s15], [sflag:$0x1], $0x500, $0x38;
	[tilespmem:$0x2D50] =	vst v63  }
0x24: {  	_ =	swait.ge [sflag:s16], $0x500  }
0x25: {  	[sflag:s16] =	ssyncset.done $0x0  }
0x26: {  	[sflag:s16] =	ssyncadd.s32 $0xFFFFFB00  }
0x27: {  	[spmem:s8] =	stream.linear.scatter [tilespmem:s15], [sflag:$0x1], $0x500, $0x38;
	[tilespmem:$0x2D50] =	vst v63  }
0x28: {  	_ =	swait.ge [sflag:s16], $0x500  }
0x29: {  	[sflag:s16] =	ssyncset.done $0x0  }
0x2a: {  	[sflag:s16] =	ssyncadd.s32 $0xFFFFFB00  }
0x2b: {  	[spmem:s9] =	stream.linear.scatter [tilespmem:s15], [sflag:$0x1], $0x500, $0x38;
	[tilespmem:$0x2D50] =	vst v63  }
0x2c: {  	_ =	swait.ge [sflag:s16], $0x500  }
0x2d: {  	[sflag:s16] =	ssyncset.done $0x0  }
0x2e: {  	[sflag:s16] =	ssyncadd.s32 $0xFFFFFB00  }
0x2f: {  	[spmem:s10] =	stream.linear.scatter [tilespmem:s15], [sflag:$0x1], $0x500, $0x38;
	[tilespmem:$0x2D50] =	vst v63  }
0x30: {  	_ =	swait.ge [sflag:s16], $0x500  }
0x31: {  	[sflag:s16] =	ssyncset.done $0x0  }
0x32: {  	[sflag:s16] =	ssyncadd.s32 $0xFFFFFB00  }
0x33: {  	[spmem:s11] =	stream.linear.scatter [tilespmem:s15], [sflag:$0x1], $0x500, $0x38;
	[tilespmem:$0x2D50] =	vst v63  }
0x34: {  	_ =	swait.ge [sflag:s16], $0x500  }
0x35: {  	[sflag:s16] =	ssyncset.done $0x0  }
0x36: {  	s22 =	simm.s32 $0x40;
	s23 =	simm.s32 $0x0;
	[sflag:s16] =	ssyncadd.s32 $0xFFFFFB00  }
.LBB2_4:
0x37: {  	p0 =	sne.s32 s22, $0x13C0;
	[tilespmem:s23+$0x2850] =	vst v1;
	s23 =	smov.u32 s22;
	s22 =	sadd.s32 $0x40, s22  }
.Ltmp1:
0x38: {  	(pc) =	sbr.rel @p0 .LBB2_4-.Ltmp1, $2  }
0x39: {  	_ =	sdelay $0x2  }
0x3a: {  	s23 =	sshra.s32 s23, $0x2  }
0x3b: {  	[tilespmem:s23+$0x2850] =	vst v1  }
0x3c: {  	s22 =	sadd.s32 $0x0, s14;
	[bflag:$0x0] =	sbarrier.arrive $0xFFFF  }
0x3d: {  	[tilespmem:s17], [sflag:$0x1] =	stream.linear.gather [hbm4b:s22+s3], $0x50, $0x38;
	[tilespmem:$0x2D50] =	vst v63  }
0x3e: {  	_ =	swait.ge [sflag:s16], $0x50  }
0x3f: {  	[sflag:s16] =	ssyncset.done $0x0  }
0x40: {  	[sflag:s16] =	ssyncadd.s32 $0xFFFFFFB0  }
0x41: {  	[spmem:s2] =	stream.indirect.scatter.add.f32 [tilespmem:s15], [sflag:$0x1], $0x10, s17, s18, $0xb8;
	[tilespmem:$0x2D50] =	vst v63  }
0x42: {  	_ =	swait.ge [sflag:s16], $0x500  }
0x43: {  	s23 =	simm.s32 $0x14;
	s22 =	simm.s32 $0xA;
	[sflag:s16] =	ssyncset.done $0x0  }
.LBB2_6:
0x44: {  	s24 =	sadd.s32 s22, s14  }
0x45: {  	[sflag:s16] =	ssyncadd.s32 $0xFFFFFB00;
	s22 =	smov.u32 s23;
	s25 =	sadd.s32 $0xA, s23  }
0x46: {  	[tilespmem:s17], [sflag:$0x1] =	stream.linear.gather [hbm4b:s24+s3], $0x50, $0x38;
	[tilespmem:$0x2D50] =	vst v63  }
0x47: {  	p0 =	sne.s32 s23, $0x4D8;
	_ =	swait.ge [sflag:s16], $0x50  }
.Ltmp2:
0x48: {  	[sflag:s16] =	ssyncset.done $0x0;
	(pc) =	sbr.rel @p0 .LBB2_6-.Ltmp2, $4  }
0x49: {  	[sflag:s16] =	ssyncadd.s32 $0xFFFFFFB0  }
0x4a: {  	[spmem:s2] =	stream.indirect.scatter.add.f32 [tilespmem:s15], [sflag:$0x1], $0x10, s17, s18, $0xb8;
	[tilespmem:$0x2D50] =	vst v63  }
0x4b: {  	_ =	swait.ge [sflag:s16], $0x500  }
0x4c: {  	s23 =	smov.u32 s25;
	[sflag:s16] =	ssyncset.done $0x0  }
0x4d: {  	s22 =	sadd.s32 s22, s14;
	[sflag:s16] =	ssyncadd.s32 $0xFFFFFB00  }
0x4e: {  	[tilespmem:s17], [sflag:$0x1] =	stream.linear.gather [hbm4b:s22+s3], $0x50, $0x38;
	[tilespmem:$0x2D50] =	vst v63  }
0x4f: {  	_ =	swait.ge [sflag:s16], $0x50  }
0x50: {  	[sflag:s16] =	ssyncset.done $0x0  }
0x51: {  	[sflag:s16] =	ssyncadd.s32 $0xFFFFFFB0  }
0x52: {  	[spmem:s2] =	stream.indirect.scatter.add.f32 [tilespmem:s15], [sflag:$0x1], $0x10, s17, s18, $0xb8;
	[tilespmem:$0x2D50] =	vst v63  }
0x53: {  	_ =	swait.ge [sflag:s16], $0x500  }
0x54: {  	s21 =	sadd.s32 $0x1, s21;
	[sflag:s16] =	ssyncset.done $0x0  }
0x55: {  	p0 =	sne.s32 s21, s13;
	[sflag:s16] =	ssyncadd.s32 $0xFFFFFB00  }
.Ltmp3:
0x56: {  	[bflag:$0x0] =	sbarrier.arrive $0xFFFF;
	(pc) =	sbr.rel @p0 .LBB2_1-.Ltmp3, $4  }
0x57: {  	[hbm:s12], [sflag:s19] =	dma.local [spmem:s20], $0x500  }
0x58: {  	_ =	swait.ge [sflag:s16], $0x500  }
0x59: {  	[sflag:s16] =	ssyncset.done $0x0  }
0x5a: {  	[sflag:s16] =	ssyncadd.s32 $0xFFFFFB00  }
0x5b: {  	_ =	sfence.sel $0x180000  }
0x5c: {  	[bflag:$0x0] =	sbarrier.arrive $0xFFFF  }
0x5d: {  	p0 =	sne.s32 s0, $0x0;
	_ =	strace $0x90000047  }
0x5e: {  	s0 =	sadd.s32 @!p0 $0x100000, s1;
	[bflag:$0x2] =	sbarrier.arrive $0xFFFF  }
0x5f: {  	[sflag:s0] =	ssyncadd.tile.s32 @!p0 $0x1;
	_ =	shalt  }
.Lfunc_end2:
_tile_overlayer_lowered:
.L_overlay_start_2:
0x60: {  	(tag) =	ssettag $0x2  }
0x61: {  	s0 =	rddreg [dreg:$0x0];
	s2 =	stileid.u32  }
0x62: {  	s1 =	rddreg [dreg:$0x1];
	p0 =	sne.s32 s2, $0x0  }
0x63: {  	s3 =	rddreg [dreg:$0x2];
	[bflag:$0x3] =	sbarrier.arrive $0xFFFF;
	s2 =	simm.s32 @!p0 $0x1C01  }
0x64: {  	[timem:s3], [sflag:s2] =	dma.local @!p0 [hbm:s0], s1  }
0x65: {  	s0 =	simm.s32 @!p0 $0x1  }
0x66: {  	_ =	swait.ge @!p0 [sflag:s0], s1  }
0x67: {  	s1 =	ssub.s32 @!p0 $0x0, s1;
	[sflag:s0] =	ssyncset.done @!p0 $0x0  }
0x68: {  	[sflag:s0] =	ssyncadd.s32 @!p0 s1  }
0x69: {  	[bflag:$0x3] =	sbarrier.arrive $0xFFFF  }
0x6a: {  	_ =	shalt  }

</sc_bundles>
